<compile_context>
chip_gen: v7x
topology: tpu7x:2x2x1
jax: 0.10.2.dev20260603
libtpu: 0.0.44.dev20260713+nightly
codegen_flags: <defaults>
</compile_context>

<pallas_src>
import jax
import jax.numpy as jnp
from jax import lax
from jax.experimental import pallas as pl
from jax.experimental.pallas import tpu as pltpu
from jax.experimental.pallas import tpu_sc as plsc

N_NODES = 10000
D_IN = 128
D_H = 64
D_PAD = 80
E_EDGES = 320000
BLK = 1000
N_BLK = N_NODES // BLK
CHUNK = 80
N_WORKERS = 32
EDGES_PER_TILE = E_EDGES // N_WORKERS
N_CHUNKS = EDGES_PER_TILE // CHUNK
N_PAD_NODES = 10240
ROWS_PER_TILE = 640


def _prologue_body(xa_ref, xb_ref, wa_ref, wb_ref, ba_ref, bb_ref,
                   aa_ref, ab_ref, ha_ref, hb_ref, s_ref, c_ref, smax_ref):
    i = pl.program_id(0)
    ha = jnp.dot(xa_ref[...], wa_ref[...],
                 preferred_element_type=jnp.float32) + ba_ref[...]
    hb = jnp.dot(xb_ref[...], wb_ref[...],
                 preferred_element_type=jnp.float32) + bb_ref[...]
    ha_ref[...] = ha
    hb_ref[...] = hb
    s = (jnp.dot(hb, ab_ref[...], preferred_element_type=jnp.float32)
         + jnp.dot(ha, aa_ref[...], preferred_element_type=jnp.float32))
    s_ref[...] = s
    blk_max = jnp.max(s, axis=0, keepdims=True)

    @pl.when(i == 0)
    def _():
        smax_ref[...] = blk_max

    @pl.when(i > 0)
    def _():
        smax_ref[...] = jnp.maximum(smax_ref[...], blk_max)

    @pl.when(i == N_BLK - 1)
    def _():
        m = smax_ref[...]
        w0 = m[:, 0:1] + m[:, 1:2]
        w1 = m[:, 2:3] + m[:, 3:4]
        c0 = jnp.where(w0 > 0, w0, 0.2 * w0)
        c1 = jnp.where(w1 > 0, w1, 0.2 * w1)
        c_ref[0:1, :] = jnp.broadcast_to(c0, (1, 16))
        c_ref[1:2, :] = jnp.broadcast_to(c1, (1, 16))


def _run_prologue(x_a, x_b, wa, wb, ba, bb, a_on_ha, a_on_hb):
    return pl.pallas_call(
        _prologue_body,
        grid=(N_BLK,),
        in_specs=[
            pl.BlockSpec((BLK, D_IN), lambda i: (i, 0)),
            pl.BlockSpec((BLK, D_IN), lambda i: (i, 0)),
            pl.BlockSpec((D_IN, D_H), lambda i: (0, 0)),
            pl.BlockSpec((D_IN, D_H), lambda i: (0, 0)),
            pl.BlockSpec((1, D_H), lambda i: (0, 0)),
            pl.BlockSpec((1, D_H), lambda i: (0, 0)),
            pl.BlockSpec((D_H, 8), lambda i: (0, 0)),
            pl.BlockSpec((D_H, 8), lambda i: (0, 0)),
        ],
        out_specs=[
            pl.BlockSpec((BLK, D_H), lambda i: (i, 0)),
            pl.BlockSpec((BLK, D_H), lambda i: (i, 0)),
            pl.BlockSpec((BLK, 8), lambda i: (i, 0)),
            pl.BlockSpec((2, 16), lambda i: (0, 0)),
        ],
        out_shape=[
            jax.ShapeDtypeStruct((N_NODES, D_H), jnp.float32),
            jax.ShapeDtypeStruct((N_NODES, D_H), jnp.float32),
            jax.ShapeDtypeStruct((N_NODES, 8), jnp.float32),
            jax.ShapeDtypeStruct((2, 16), jnp.float32),
        ],
        scratch_shapes=[pltpu.VMEM((1, 8), jnp.float32)],
    )(x_a, x_b, wa, wb, ba, bb, a_on_ha, a_on_hb)


def _make_sc_body(r):
    def _sc_body(esrc, edst, h_hbm, sarr, cvec, accs,
                 s_v, rows_v, stg_v, sidx_v, didx_v, ex_v, c_v, acc_sh,
                 sem):
        cid = lax.axis_index("c")
        sid = lax.axis_index("s")
        wid = cid * 16 + sid
        onehot0 = jnp.where(lax.iota(jnp.int32, 16) == 0,
                            jnp.float32(1), jnp.float32(0))

        pltpu.sync_copy(sarr, s_v)
        pltpu.sync_copy(cvec, c_v)
        cshift = c_v[pl.ds(r * 16, 16)]

        def _zrow(i, carry):
            for j5 in range(D_PAD // 16):
                stg_v[i, pl.ds(j5 * 16, 16)] = jnp.zeros((16,), jnp.float32)
            return carry

        lax.fori_loop(0, CHUNK, _zrow, 0)
        base = sid * ROWS_PER_TILE
        for i in range(ROWS_PER_TILE // CHUNK):
            pltpu.sync_copy(stg_v, acc_sh.at[pl.ds(base + i * CHUNK, CHUNK)])
        plsc.subcore_barrier()

        def _chunk(c, carry):
            off = wid * EDGES_PER_TILE + c * CHUNK
            pltpu.sync_copy(esrc.at[pl.ds(off, CHUNK)], sidx_v)
            pltpu.sync_copy(edst.at[pl.ds(off, CHUNK)], didx_v)
            pltpu.async_copy(h_hbm.at[sidx_v], rows_v, sem).wait()

            def _ex(k, carry2):
                sv = sidx_v[pl.ds(k * 16, 16)]
                dv = didx_v[pl.ds(k * 16, 16)]
                sa = plsc.load_gather(s_v, [sv * 2])
                sd = plsc.load_gather(s_v, [dv * 2 + 1])
                al = sa + sd
                al = jnp.where(al > 0, al, 0.2 * al)
                ex_v[pl.ds(k * 16, 16)] = jnp.exp(al - cshift)
                return carry2

            lax.fori_loop(0, CHUNK // 16, _ex, 0)

            def _scale(e, carry2):
                ev = plsc.load_gather(ex_v, [jnp.full((16,), e, jnp.int32)])
                for j in range(D_H // 16):
                    stg_v[e, pl.ds(j * 16, 16)] = (
                        rows_v[e, pl.ds(j * 16, 16)] * ev)
                stg_v[e, pl.ds(D_H, 16)] = ev * onehot0
                return carry2

            lax.fori_loop(0, CHUNK, _scale, 0)
            pltpu.sync_copy(stg_v, acc_sh.at[didx_v], add=True)
            return carry

        lax.fori_loop(0, N_CHUNKS, _chunk, 0)
        plsc.subcore_barrier()
        pltpu.sync_copy(acc_sh.at[pl.ds(base, ROWS_PER_TILE)],
                        accs.at[cid, pl.ds(base, ROWS_PER_TILE)])

    return _sc_body


def _run_sc(r, esrc, edst, h, sarr, cvec):
    mesh = plsc.VectorSubcoreMesh(core_axis_name="c", subcore_axis_name="s")
    f = pl.kernel(
        _make_sc_body(r),
        mesh=mesh,
        compiler_params=pltpu.CompilerParams(needs_layout_passes=False,
                                             use_tc_tiling_on_sc=False),
        out_type=jax.ShapeDtypeStruct((2, N_PAD_NODES, D_PAD), jnp.float32),
        scratch_types=[
            pltpu.VMEM((N_NODES * 2,), jnp.float32),
            pltpu.VMEM((CHUNK, D_H), jnp.float32),
            pltpu.VMEM((CHUNK, D_PAD), jnp.float32),
            pltpu.VMEM((CHUNK,), jnp.int32),
            pltpu.VMEM((CHUNK,), jnp.int32),
            pltpu.VMEM((CHUNK,), jnp.float32),
            pltpu.VMEM((32,), jnp.float32),
            pltpu.VMEM_SHARED((N_PAD_NODES, D_PAD), jnp.float32),
            pltpu.SemaphoreType.DMA,
        ],
    )
    return f(esrc, edst, h, sarr, cvec)


def _epilogue_body(acc0_ref, acc1_ref, kw_ref, kb_ref, q_ref, lw_ref,
                   lb_ref, y_ref, sums_ref, attn_ref, mx_ref):
    p = pl.program_id(0)
    b = pl.program_id(1)

    a00 = acc0_ref[0]
    a01 = acc0_ref[1]
    a10 = acc1_ref[0]
    a11 = acc1_ref[1]
    s0 = a00 + a01
    s1 = a10 + a11
    o0 = jax.nn.relu(s0[:, :D_H] / (s0[:, D_H:D_H + 1] + 1e-16))
    o1 = jax.nn.relu(s1[:, :D_H] / (s1[:, D_H:D_H + 1] + 1e-16))

    @pl.when(p == 0)
    def _():
        t0 = jnp.tanh(jnp.dot(o0, kw_ref[...],
                              preferred_element_type=jnp.float32)
                      + kb_ref[...])
        t1 = jnp.tanh(jnp.dot(o1, kw_ref[...],
                              preferred_element_type=jnp.float32)
                      + kb_ref[...])
        part = jnp.concatenate(
            [jnp.sum(t0, axis=0, keepdims=True),
             jnp.sum(t1, axis=0, keepdims=True)], axis=0)

        @pl.when(b == 0)
        def _():
            sums_ref[...] = part

        @pl.when(b > 0)
        def _():
            sums_ref[...] = sums_ref[...] + part

        @pl.when(b == N_BLK - 1)
        def _():
            m = sums_ref[...] / float(N_NODES)
            sc = jnp.sum(q_ref[...] * m, axis=1, keepdims=True)
            smax = jnp.max(sc, axis=0, keepdims=True)
            e = jnp.exp(sc - smax)
            attn = e / jnp.sum(e, axis=0, keepdims=True)
            attn_ref[...] = jnp.broadcast_to(attn, (2, D_H))

    @pl.when(p == 1)
    def _():
        w = attn_ref[0:1, :] * o0 + attn_ref[1:2, :] * o1
        blk_mx = jnp.max(w, axis=0, keepdims=True)

        @pl.when(b == 0)
        def _():
            mx_ref[...] = blk_mx

        @pl.when(b > 0)
        def _():
            mx_ref[...] = jnp.maximum(mx_ref[...], blk_mx)

        @pl.when(b == N_BLK - 1)
        def _():
            y_ref[...] = (jnp.dot(mx_ref[...], lw_ref[...],
                                  preferred_element_type=jnp.float32)
                          + lb_ref[...])


def _run_epilogue(acc0, acc1, kW, kb2, q2, linW, linb2):
    return pl.pallas_call(
        _epilogue_body,
        grid=(2, N_BLK),
        in_specs=[
            pl.BlockSpec((2, BLK, D_PAD), lambda p, b: (0, b, 0)),
            pl.BlockSpec((2, BLK, D_PAD), lambda p, b: (0, b, 0)),
            pl.BlockSpec((D_H, D_H), lambda p, b: (0, 0)),
            pl.BlockSpec((1, D_H), lambda p, b: (0, 0)),
            pl.BlockSpec((1, D_H), lambda p, b: (0, 0)),
            pl.BlockSpec((D_H, 1), lambda p, b: (0, 0)),
            pl.BlockSpec((1, 1), lambda p, b: (0, 0)),
        ],
        out_specs=pl.BlockSpec((1, 1), lambda p, b: (0, 0)),
        out_shape=jax.ShapeDtypeStruct((1, 1), jnp.float32),
        scratch_shapes=[
            pltpu.VMEM((2, D_H), jnp.float32),
            pltpu.VMEM((2, D_H), jnp.float32),
            pltpu.VMEM((1, D_H), jnp.float32),
        ],
    )(acc0, acc1, kW, kb2, q2, linW, linb2)


def kernel(x_a, x_b, edge_index_b2a, edge_index_a2b, edge_index_a2a,
           projW_a, projb_a, projW_b, projb_b,
           asrc_b2a, adst_b2a, asrc_a2b, adst_a2b, asrc_a2a, adst_a2a,
           q, kW, kb, linW, linb):
    del edge_index_a2b, asrc_a2b, adst_a2b
    zeros_h = jnp.zeros((D_H,), jnp.float32)
    a_on_ha = jnp.stack([zeros_h, adst_b2a, asrc_a2a, adst_a2a,
                         zeros_h, zeros_h, zeros_h, zeros_h], axis=1)
    a_on_hb = jnp.stack([asrc_b2a, zeros_h, zeros_h, zeros_h,
                         zeros_h, zeros_h, zeros_h, zeros_h], axis=1)
    ha, hb, sarr, cvec = _run_prologue(
        x_a, x_b, projW_a, projW_b,
        projb_a.reshape(1, D_H), projb_b.reshape(1, D_H), a_on_ha, a_on_hb)

    e0 = edge_index_b2a.astype(jnp.int32)
    e1 = edge_index_a2a.astype(jnp.int32)
    c_flat = cvec.reshape(-1)
    s0 = sarr[:, 0:2].reshape(-1)
    s1 = sarr[:, 2:4].reshape(-1)
    acc0 = _run_sc(0, e0[0], e0[1], hb, s0, c_flat)
    acc1 = _run_sc(1, e1[0], e1[1], ha, s1, c_flat)

    return _run_epilogue(acc0, acc1, kW, kb.reshape(1, D_H),
                         q.reshape(1, D_H), linW, linb.reshape(1, 1))

# --- scband reference (transcript-rebuilt; emitter-appended) ---
"""Pipeline reference for scband-hetero-critic-31267361915425 (READ-ONLY COPY).

The authoritative reference and input builder live on the scoring server;
editing this copy changes nothing except your own understanding.
"""

import jax, jax.numpy as jnp
import numpy as np

N_A = 10000
N_B = 10000
E = 320000
D_IN = 128
D_H = 64


def _edge_conv(x_src, x_dst, a_src, a_dst, ei, n_dst):
    # HANConv per-edge-type GAT-style attention (heads=1)
    src = ei[0]
    dst = ei[1]
    alpha = (x_src @ a_src)[src] + (x_dst @ a_dst)[dst]
    alpha = jnp.where(alpha > 0, alpha, 0.2 * alpha)  # leaky_relu(0.2)
    amax = jax.ops.segment_max(alpha, dst, num_segments=n_dst)
    amax = jnp.where(jnp.isfinite(amax), amax, 0.0)
    ex = jnp.exp(alpha - amax[dst])
    denom = jax.ops.segment_sum(ex, dst, num_segments=n_dst)
    att = ex / (denom[dst] + 1e-16)
    out = jax.ops.segment_sum(x_src[src] * att[:, None], dst, num_segments=n_dst)
    return jax.nn.relu(out)


def _group(xs, q, kW, kb):
    # HANConv semantic-level attention across relations
    out = jnp.stack(xs)  # [R, N, C]
    score = (q * jnp.tanh(out @ kW + kb).mean(axis=1)).sum(-1)  # [R]
    attn = jax.nn.softmax(score, axis=0)
    return (attn[:, None, None] * out).sum(axis=0)


def setup_inputs(seed: int = 0):
    key = jax.random.key(seed)
    ks = jax.random.split(key, 20)
    s_in = 1.0 / np.sqrt(D_IN)
    s_h = 1.0 / np.sqrt(D_H)
    inp = {}
    inp['x_a'] = jax.random.normal(ks[0], (N_A, D_IN), dtype=jnp.float32)
    inp['x_b'] = jax.random.normal(ks[1], (N_B, D_IN), dtype=jnp.float32)
    inp['edge_index_b2a'] = jax.random.randint(ks[2], (2, E), 0, N_A)
    inp['edge_index_a2b'] = jax.random.randint(ks[3], (2, E), 0, N_B)
    inp['edge_index_a2a'] = jax.random.randint(ks[4], (2, E), 0, N_A)
    inp['projW_a'] = jax.random.normal(ks[5], (D_IN, D_H), dtype=jnp.float32) * s_in
    inp['projb_a'] = jnp.zeros((D_H,), dtype=jnp.float32)
    inp['projW_b'] = jax.random.normal(ks[6], (D_IN, D_H), dtype=jnp.float32) * s_in
    inp['projb_b'] = jnp.zeros((D_H,), dtype=jnp.float32)
    inp['asrc_b2a'] = jax.random.normal(ks[7], (D_H,), dtype=jnp.float32) * s_h
    inp['adst_b2a'] = jax.random.normal(ks[8], (D_H,), dtype=jnp.float32) * s_h
    inp['asrc_a2b'] = jax.random.normal(ks[9], (D_H,), dtype=jnp.float32) * s_h
    inp['adst_a2b'] = jax.random.normal(ks[10], (D_H,), dtype=jnp.float32) * s_h
    inp['asrc_a2a'] = jax.random.normal(ks[11], (D_H,), dtype=jnp.float32) * s_h
    inp['adst_a2a'] = jax.random.normal(ks[12], (D_H,), dtype=jnp.float32) * s_h
    inp['q'] = jax.random.normal(ks[13], (D_H,), dtype=jnp.float32) * s_h
    inp['kW'] = jax.random.normal(ks[14], (D_H, D_H), dtype=jnp.float32) * s_h
    inp['kb'] = jnp.zeros((D_H,), dtype=jnp.float32)
    inp['linW'] = jax.random.normal(ks[15], (D_H, 1), dtype=jnp.float32) * s_h
    inp['linb'] = jnp.zeros((1,), dtype=jnp.float32)
    return inp


def reference(x_a, x_b, edge_index_b2a, edge_index_a2b, edge_index_a2a,
              projW_a, projb_a, projW_b, projb_b,
              asrc_b2a, adst_b2a, asrc_a2b, adst_a2b, asrc_a2a, adst_a2a,
              q, kW, kb, linW, linb):
    # node-type-specific projections
    ha = x_a @ projW_a + projb_a
    hb = x_b @ projW_b + projb_b
    # per-edge-type message passing (HANConv node-level attention)
    o_b2a = _edge_conv(hb, ha, asrc_b2a, adst_b2a, edge_index_b2a, N_A)
    o_a2a = _edge_conv(ha, ha, asrc_a2a, adst_a2a, edge_index_a2a, N_A)
    o_a2b = _edge_conv(ha, hb, asrc_a2b, adst_a2b, edge_index_a2b, N_B)
    # semantic-level attention per destination node type
    out_a = _group([o_b2a, o_a2a], q, kW, kb)
    out_b = _group([o_a2b], q, kW, kb)  # computed for faithfulness, unused by critic head
    # global_max_pool with batch index all-zeros (single graph)
    pooled = jnp.max(out_a, axis=0, keepdims=True)  # [1, D_H]
    return pooled @ linW + linb  # [1, 1]

if __name__ == "__main__":
    import jax
    _d = setup_inputs()
    print(jax.jit(kernel)(*tuple(_d.values())))

</pallas_src>

<mosaic_0001>
#map = affine_map<(d0, d1) -> (0)>
#map1 = affine_map<(d0, d1) -> (0, 0)>
#map2 = affine_map<(d0, d1) -> (0, 0, 0)>
module attributes {stable_mosaic.version = 14 : i64} {
  func.func @_sc_body(%arg0: i32, %arg1: i32, %arg2: memref<320000xi32, #tpu.memory_space<hbm>>, %arg3: memref<320000xi32, #tpu.memory_space<hbm>>, %arg4: memref<10000x64xf32, #tpu.memory_space<hbm>>, %arg5: memref<20000xf32, #tpu.memory_space<hbm>>, %arg6: memref<32xf32, #tpu.memory_space<hbm>>, %arg7: memref<2x10240x80xf32, #tpu.memory_space<hbm>>, %arg8: memref<20000xf32, #tpu.memory_space<vmem>>, %arg9: memref<80x64xf32, #tpu.memory_space<vmem>>, %arg10: memref<80x80xf32, #tpu.memory_space<vmem>>, %arg11: memref<80xi32, #tpu.memory_space<vmem>>, %arg12: memref<80xi32, #tpu.memory_space<vmem>>, %arg13: memref<80xf32, #tpu.memory_space<vmem>>, %arg14: memref<32xf32, #tpu.memory_space<vmem>>, %arg15: memref<10240x80xf32, #tpu.memory_space<vmem_shared>>, %arg16: memref<!tpu.dma_semaphore, #tpu.memory_space<semaphore_mem>>) attributes {dimension_semantics = [#tpu.dimension_semantics<core_parallel>, #tpu.dimension_semantics<subcore_parallel>], iteration_bounds = array<i64: 2, 16>, scalar_prefetch = 0 : i64, scratch_operands = 9 : i64, tpu.core_type = #tpu.core_type<sc_vector_subcore>, window_params = [{transform_indices = #map}, {transform_indices = #map}, {transform_indices = #map1}, {transform_indices = #map}, {transform_indices = #map}, {transform_indices = #map2}]} {
    %mul3A = arith.constant 16 : i32
    %mul3A_0 = arith.muli %arg0, %mul3A : i32
    %add3A = arith.addi %mul3A_0, %arg1 : i32
    %iota3A = tpu.iota {dimensions = array<i32: 0>} : vector<16xi32>
    %eq3A = arith.constant 0 : i32
    %eq3A_1 = vector.broadcast %eq3A : i32 to vector<16xi32>
    %eq3A_2 = arith.cmpi eq, %iota3A, %eq3A_1 : vector<16xi32>
    %jit3A = arith.constant 1.000000e+00 : f32
    %jit3A_3 = arith.constant 0.000000e+00 : f32
    %broadcast_in_dim3A = vector.broadcast %jit3A : f32 to vector<16xf32>
    %broadcast_in_dim3A_4 = vector.broadcast %jit3A_3 : f32 to vector<16xf32>
    %select_n3A = arith.select %eq3A_2, %broadcast_in_dim3A, %broadcast_in_dim3A_4 : vector<16xi1>, vector<16xf32>
    "tpu.region"() ({
      %run_scoped3A = tpu.sem_alloc : memref<!tpu.dma_semaphore, #tpu.memory_space<semaphore_mem>>
      tpu.enqueue_dma source(%arg5 : memref<20000xf32, #tpu.memory_space<hbm>>) target(%arg8 : memref<20000xf32, #tpu.memory_space<vmem>>) target_semaphore(%run_scoped3A : memref<!tpu.dma_semaphore, #tpu.memory_space<semaphore_mem>>)
      tpu.wait_dma2 semaphore(%run_scoped3A : memref<!tpu.dma_semaphore, #tpu.memory_space<semaphore_mem>>) src(%arg5 : memref<20000xf32, #tpu.memory_space<hbm>>) dst(%arg8 : memref<20000xf32, #tpu.memory_space<vmem>>)
      tpu.yield
    }) : () -> ()
    "tpu.region"() ({
      %run_scoped3A = tpu.sem_alloc : memref<!tpu.dma_semaphore, #tpu.memory_space<semaphore_mem>>
      tpu.enqueue_dma source(%arg6 : memref<32xf32, #tpu.memory_space<hbm>>) target(%arg14 : memref<32xf32, #tpu.memory_space<vmem>>) target_semaphore(%run_scoped3A : memref<!tpu.dma_semaphore, #tpu.memory_space<semaphore_mem>>)
      tpu.wait_dma2 semaphore(%run_scoped3A : memref<!tpu.dma_semaphore, #tpu.memory_space<semaphore_mem>>) src(%arg6 : memref<32xf32, #tpu.memory_space<hbm>>) dst(%arg14 : memref<32xf32, #tpu.memory_space<vmem>>)
      tpu.yield
    }) : () -> ()
    %get3A = arith.constant 16 : index
    %get3A_5 = tpu.vector_load %arg14[%get3A] {strides = array<i32>} : memref<32xf32, #tpu.memory_space<vmem>>, vector<16xf32>,
    %scan3A = arith.constant 0 : i32
    %scan3A_6 = arith.constant 0 : i32
    %scan3A_7 = arith.constant 80 : i32
    %scan3A_8 = arith.addi %scan3A_6, %scan3A_7 : i32
    %scan3A_9 = arith.constant 1 : i32
    scf.for %scan3A_36 = %scan3A_6 to %scan3A_8 step %scan3A_9  : i32 {
      %broadcast_in_dim3A_37 = arith.constant 0.000000e+00 : f32
      %broadcast_in_dim3A_38 = vector.broadcast %broadcast_in_dim3A_37 : f32 to vector<16xf32>
      %swap3A = arith.index_cast %scan3A_36 : i32 to index
      %swap3A_39 = arith.constant 0 : index
      %swap3A_40 = tpu.vector_load %arg10[%swap3A, %swap3A_39] {strides = array<i32>} : memref<80x80xf32, #tpu.memory_space<vmem>>, vector<16xf32>,
      tpu.vector_store %arg10[%swap3A, %swap3A_39], %broadcast_in_dim3A_38 {strides = array<i32>} : memref<80x80xf32, #tpu.memory_space<vmem>>, vector<16xf32>,
      %broadcast_in_dim3A_41 = arith.constant 0.000000e+00 : f32
      %broadcast_in_dim3A_42 = vector.broadcast %broadcast_in_dim3A_41 : f32 to vector<16xf32>
      %swap3A_43 = arith.index_cast %scan3A_36 : i32 to index
      %swap3A_44 = arith.constant 16 : index
      %swap3A_45 = tpu.vector_load %arg10[%swap3A_43, %swap3A_44] {strides = array<i32>} : memref<80x80xf32, #tpu.memory_space<vmem>>, vector<16xf32>,
      tpu.vector_store %arg10[%swap3A_43, %swap3A_44], %broadcast_in_dim3A_42 {strides = array<i32>} : memref<80x80xf32, #tpu.memory_space<vmem>>, vector<16xf32>,
      %broadcast_in_dim3A_46 = arith.constant 0.000000e+00 : f32
      %broadcast_in_dim3A_47 = vector.broadcast %broadcast_in_dim3A_46 : f32 to vector<16xf32>
      %swap3A_48 = arith.index_cast %scan3A_36 : i32 to index
      %swap3A_49 = arith.constant 32 : index
      %swap3A_50 = tpu.vector_load %arg10[%swap3A_48, %swap3A_49] {strides = array<i32>} : memref<80x80xf32, #tpu.memory_space<vmem>>, vector<16xf32>,
      tpu.vector_store %arg10[%swap3A_48, %swap3A_49], %broadcast_in_dim3A_47 {strides = array<i32>} : memref<80x80xf32, #tpu.memory_space<vmem>>, vector<16xf32>,
      %broadcast_in_dim3A_51 = arith.constant 0.000000e+00 : f32
      %broadcast_in_dim3A_52 = vector.broadcast %broadcast_in_dim3A_51 : f32 to vector<16xf32>
      %swap3A_53 = arith.index_cast %scan3A_36 : i32 to index
      %swap3A_54 = arith.constant 48 : index
      %swap3A_55 = tpu.vector_load %arg10[%swap3A_53, %swap3A_54] {strides = array<i32>} : memref<80x80xf32, #tpu.memory_space<vmem>>, vector<16xf32>,
      tpu.vector_store %arg10[%swap3A_53, %swap3A_54], %broadcast_in_dim3A_52 {strides = array<i32>} : memref<80x80xf32, #tpu.memory_space<vmem>>, vector<16xf32>,
      %broadcast_in_dim3A_56 = arith.constant 0.000000e+00 : f32
      %broadcast_in_dim3A_57 = vector.broadcast %broadcast_in_dim3A_56 : f32 to vector<16xf32>
      %swap3A_58 = arith.index_cast %scan3A_36 : i32 to index
      %swap3A_59 = arith.constant 64 : index
      %swap3A_60 = tpu.vector_load %arg10[%swap3A_58, %swap3A_59] {strides = array<i32>} : memref<80x80xf32, #tpu.memory_space<vmem>>, vector<16xf32>,
      tpu.vector_store %arg10[%swap3A_58, %swap3A_59], %broadcast_in_dim3A_57 {strides = array<i32>} : memref<80x80xf32, #tpu.memory_space<vmem>>, vector<16xf32>,
    }
    %scan3A_10 = arith.constant 80 : i32
    %mul3A_11 = arith.constant 640 : i32
    %mul3A_12 = arith.muli %arg1, %mul3A_11 : i32
    %add3A_13 = arith.constant 0 : i32
    %add3A_14 = arith.addi %mul3A_12, %add3A_13 : i32
    "tpu.region"() ({
      %run_scoped3A = tpu.sem_alloc : memref<!tpu.dma_semaphore, #tpu.memory_space<semaphore_mem>>
      %dma_start3A = arith.constant 0 : i32
      %dma_start3A_36 = tpu.memref_slice %arg15[%add3A_14, %dma_start3A] : memref<10240x80xf32, #tpu.memory_space<vmem_shared>> -> memref<80x80xf32, #tpu.memory_space<vmem_shared>>
      %dma_start3A_37 = arith.constant 0 : i32
      %dma_start3A_38 = tpu.memref_slice %arg15[%add3A_14, %dma_start3A_37] : memref<10240x80xf32, #tpu.memory_space<vmem_shared>> -> memref<80x80xf32, #tpu.memory_space<vmem_shared>>
      tpu.enqueue_dma source(%arg10 : memref<80x80xf32, #tpu.memory_space<vmem>>) target(%dma_start3A_38 : memref<80x80xf32, #tpu.memory_space<vmem_shared>>) target_semaphore(%run_scoped3A : memref<!tpu.dma_semaphore, #tpu.memory_space<semaphore_mem>>)
      %dma_wait3A = arith.constant 0 : i32
      %dma_wait3A_39 = tpu.memref_slice %arg15[%add3A_14, %dma_wait3A] : memref<10240x80xf32, #tpu.memory_space<vmem_shared>> -> memref<80x80xf32, #tpu.memory_space<vmem_shared>>
      %dma_wait3A_40 = arith.constant 0 : i32
      %dma_wait3A_41 = tpu.memref_slice %arg15[%add3A_14, %dma_wait3A_40] : memref<10240x80xf32, #tpu.memory_space<vmem_shared>> -> memref<80x80xf32, #tpu.memory_space<vmem_shared>>
      tpu.wait_dma2 semaphore(%run_scoped3A : memref<!tpu.dma_semaphore, #tpu.memory_space<semaphore_mem>>) src(%arg10 : memref<80x80xf32, #tpu.memory_space<vmem>>) dst(%dma_wait3A_41 : memref<80x80xf32, #tpu.memory_space<vmem_shared>>)
      tpu.yield
    }) : () -> ()
    %add3A_15 = arith.constant 80 : i32
    %add3A_16 = arith.addi %mul3A_12, %add3A_15 : i32
    "tpu.region"() ({
      %run_scoped3A = tpu.sem_alloc : memref<!tpu.dma_semaphore, #tpu.memory_space<semaphore_mem>>
      %dma_start3A = arith.constant 0 : i32
      %dma_start3A_36 = tpu.memref_slice %arg15[%add3A_16, %dma_start3A] : memref<10240x80xf32, #tpu.memory_space<vmem_shared>> -> memref<80x80xf32, #tpu.memory_space<vmem_shared>>
      %dma_start3A_37 = arith.constant 0 : i32
      %dma_start3A_38 = tpu.memref_slice %arg15[%add3A_16, %dma_start3A_37] : memref<10240x80xf32, #tpu.memory_space<vmem_shared>> -> memref<80x80xf32, #tpu.memory_space<vmem_shared>>
      tpu.enqueue_dma source(%arg10 : memref<80x80xf32, #tpu.memory_space<vmem>>) target(%dma_start3A_38 : memref<80x80xf32, #tpu.memory_space<vmem_shared>>) target_semaphore(%run_scoped3A : memref<!tpu.dma_semaphore, #tpu.memory_space<semaphore_mem>>)
      %dma_wait3A = arith.constant 0 : i32
      %dma_wait3A_39 = tpu.memref_slice %arg15[%add3A_16, %dma_wait3A] : memref<10240x80xf32, #tpu.memory_space<vmem_shared>> -> memref<80x80xf32, #tpu.memory_space<vmem_shared>>
      %dma_wait3A_40 = arith.constant 0 : i32
      %dma_wait3A_41 = tpu.memref_slice %arg15[%add3A_16, %dma_wait3A_40] : memref<10240x80xf32, #tpu.memory_space<vmem_shared>> -> memref<80x80xf32, #tpu.memory_space<vmem_shared>>
      tpu.wait_dma2 semaphore(%run_scoped3A : memref<!tpu.dma_semaphore, #tpu.memory_space<semaphore_mem>>) src(%arg10 : memref<80x80xf32, #tpu.memory_space<vmem>>) dst(%dma_wait3A_41 : memref<80x80xf32, #tpu.memory_space<vmem_shared>>)
      tpu.yield
    }) : () -> ()
    %add3A_17 = arith.constant 160 : i32
    %add3A_18 = arith.addi %mul3A_12, %add3A_17 : i32
    "tpu.region"() ({
      %run_scoped3A = tpu.sem_alloc : memref<!tpu.dma_semaphore, #tpu.memory_space<semaphore_mem>>
      %dma_start3A = arith.constant 0 : i32
      %dma_start3A_36 = tpu.memref_slice %arg15[%add3A_18, %dma_start3A] : memref<10240x80xf32, #tpu.memory_space<vmem_shared>> -> memref<80x80xf32, #tpu.memory_space<vmem_shared>>
      %dma_start3A_37 = arith.constant 0 : i32
      %dma_start3A_38 = tpu.memref_slice %arg15[%add3A_18, %dma_start3A_37] : memref<10240x80xf32, #tpu.memory_space<vmem_shared>> -> memref<80x80xf32, #tpu.memory_space<vmem_shared>>
      tpu.enqueue_dma source(%arg10 : memref<80x80xf32, #tpu.memory_space<vmem>>) target(%dma_start3A_38 : memref<80x80xf32, #tpu.memory_space<vmem_shared>>) target_semaphore(%run_scoped3A : memref<!tpu.dma_semaphore, #tpu.memory_space<semaphore_mem>>)
      %dma_wait3A = arith.constant 0 : i32
      %dma_wait3A_39 = tpu.memref_slice %arg15[%add3A_18, %dma_wait3A] : memref<10240x80xf32, #tpu.memory_space<vmem_shared>> -> memref<80x80xf32, #tpu.memory_space<vmem_shared>>
      %dma_wait3A_40 = arith.constant 0 : i32
      %dma_wait3A_41 = tpu.memref_slice %arg15[%add3A_18, %dma_wait3A_40] : memref<10240x80xf32, #tpu.memory_space<vmem_shared>> -> memref<80x80xf32, #tpu.memory_space<vmem_shared>>
      tpu.wait_dma2 semaphore(%run_scoped3A : memref<!tpu.dma_semaphore, #tpu.memory_space<semaphore_mem>>) src(%arg10 : memref<80x80xf32, #tpu.memory_space<vmem>>) dst(%dma_wait3A_41 : memref<80x80xf32, #tpu.memory_space<vmem_shared>>)
      tpu.yield
    }) : () -> ()
    %add3A_19 = arith.constant 240 : i32
    %add3A_20 = arith.addi %mul3A_12, %add3A_19 : i32
    "tpu.region"() ({
      %run_scoped3A = tpu.sem_alloc : memref<!tpu.dma_semaphore, #tpu.memory_space<semaphore_mem>>
      %dma_start3A = arith.constant 0 : i32
      %dma_start3A_36 = tpu.memref_slice %arg15[%add3A_20, %dma_start3A] : memref<10240x80xf32, #tpu.memory_space<vmem_shared>> -> memref<80x80xf32, #tpu.memory_space<vmem_shared>>
      %dma_start3A_37 = arith.constant 0 : i32
      %dma_start3A_38 = tpu.memref_slice %arg15[%add3A_20, %dma_start3A_37] : memref<10240x80xf32, #tpu.memory_space<vmem_shared>> -> memref<80x80xf32, #tpu.memory_space<vmem_shared>>
      tpu.enqueue_dma source(%arg10 : memref<80x80xf32, #tpu.memory_space<vmem>>) target(%dma_start3A_38 : memref<80x80xf32, #tpu.memory_space<vmem_shared>>) target_semaphore(%run_scoped3A : memref<!tpu.dma_semaphore, #tpu.memory_space<semaphore_mem>>)
      %dma_wait3A = arith.constant 0 : i32
      %dma_wait3A_39 = tpu.memref_slice %arg15[%add3A_20, %dma_wait3A] : memref<10240x80xf32, #tpu.memory_space<vmem_shared>> -> memref<80x80xf32, #tpu.memory_space<vmem_shared>>
      %dma_wait3A_40 = arith.constant 0 : i32
      %dma_wait3A_41 = tpu.memref_slice %arg15[%add3A_20, %dma_wait3A_40] : memref<10240x80xf32, #tpu.memory_space<vmem_shared>> -> memref<80x80xf32, #tpu.memory_space<vmem_shared>>
      tpu.wait_dma2 semaphore(%run_scoped3A : memref<!tpu.dma_semaphore, #tpu.memory_space<semaphore_mem>>) src(%arg10 : memref<80x80xf32, #tpu.memory_space<vmem>>) dst(%dma_wait3A_41 : memref<80x80xf32, #tpu.memory_space<vmem_shared>>)
      tpu.yield
    }) : () -> ()
    %add3A_21 = arith.constant 320 : i32
    %add3A_22 = arith.addi %mul3A_12, %add3A_21 : i32
    "tpu.region"() ({
      %run_scoped3A = tpu.sem_alloc : memref<!tpu.dma_semaphore, #tpu.memory_space<semaphore_mem>>
      %dma_start3A = arith.constant 0 : i32
      %dma_start3A_36 = tpu.memref_slice %arg15[%add3A_22, %dma_start3A] : memref<10240x80xf32, #tpu.memory_space<vmem_shared>> -> memref<80x80xf32, #tpu.memory_space<vmem_shared>>
      %dma_start3A_37 = arith.constant 0 : i32
      %dma_start3A_38 = tpu.memref_slice %arg15[%add3A_22, %dma_start3A_37] : memref<10240x80xf32, #tpu.memory_space<vmem_shared>> -> memref<80x80xf32, #tpu.memory_space<vmem_shared>>
      tpu.enqueue_dma source(%arg10 : memref<80x80xf32, #tpu.memory_space<vmem>>) target(%dma_start3A_38 : memref<80x80xf32, #tpu.memory_space<vmem_shared>>) target_semaphore(%run_scoped3A : memref<!tpu.dma_semaphore, #tpu.memory_space<semaphore_mem>>)
      %dma_wait3A = arith.constant 0 : i32
      %dma_wait3A_39 = tpu.memref_slice %arg15[%add3A_22, %dma_wait3A] : memref<10240x80xf32, #tpu.memory_space<vmem_shared>> -> memref<80x80xf32, #tpu.memory_space<vmem_shared>>
      %dma_wait3A_40 = arith.constant 0 : i32
      %dma_wait3A_41 = tpu.memref_slice %arg15[%add3A_22, %dma_wait3A_40] : memref<10240x80xf32, #tpu.memory_space<vmem_shared>> -> memref<80x80xf32, #tpu.memory_space<vmem_shared>>
      tpu.wait_dma2 semaphore(%run_scoped3A : memref<!tpu.dma_semaphore, #tpu.memory_space<semaphore_mem>>) src(%arg10 : memref<80x80xf32, #tpu.memory_space<vmem>>) dst(%dma_wait3A_41 : memref<80x80xf32, #tpu.memory_space<vmem_shared>>)
      tpu.yield
    }) : () -> ()
    %add3A_23 = arith.constant 400 : i32
    %add3A_24 = arith.addi %mul3A_12, %add3A_23 : i32
    "tpu.region"() ({
      %run_scoped3A = tpu.sem_alloc : memref<!tpu.dma_semaphore, #tpu.memory_space<semaphore_mem>>
      %dma_start3A = arith.constant 0 : i32
      %dma_start3A_36 = tpu.memref_slice %arg15[%add3A_24, %dma_start3A] : memref<10240x80xf32, #tpu.memory_space<vmem_shared>> -> memref<80x80xf32, #tpu.memory_space<vmem_shared>>
      %dma_start3A_37 = arith.constant 0 : i32
      %dma_start3A_38 = tpu.memref_slice %arg15[%add3A_24, %dma_start3A_37] : memref<10240x80xf32, #tpu.memory_space<vmem_shared>> -> memref<80x80xf32, #tpu.memory_space<vmem_shared>>
      tpu.enqueue_dma source(%arg10 : memref<80x80xf32, #tpu.memory_space<vmem>>) target(%dma_start3A_38 : memref<80x80xf32, #tpu.memory_space<vmem_shared>>) target_semaphore(%run_scoped3A : memref<!tpu.dma_semaphore, #tpu.memory_space<semaphore_mem>>)
      %dma_wait3A = arith.constant 0 : i32
      %dma_wait3A_39 = tpu.memref_slice %arg15[%add3A_24, %dma_wait3A] : memref<10240x80xf32, #tpu.memory_space<vmem_shared>> -> memref<80x80xf32, #tpu.memory_space<vmem_shared>>
      %dma_wait3A_40 = arith.constant 0 : i32
      %dma_wait3A_41 = tpu.memref_slice %arg15[%add3A_24, %dma_wait3A_40] : memref<10240x80xf32, #tpu.memory_space<vmem_shared>> -> memref<80x80xf32, #tpu.memory_space<vmem_shared>>
      tpu.wait_dma2 semaphore(%run_scoped3A : memref<!tpu.dma_semaphore, #tpu.memory_space<semaphore_mem>>) src(%arg10 : memref<80x80xf32, #tpu.memory_space<vmem>>) dst(%dma_wait3A_41 : memref<80x80xf32, #tpu.memory_space<vmem_shared>>)
      tpu.yield
    }) : () -> ()
    %add3A_25 = arith.constant 480 : i32
    %add3A_26 = arith.addi %mul3A_12, %add3A_25 : i32
    "tpu.region"() ({
      %run_scoped3A = tpu.sem_alloc : memref<!tpu.dma_semaphore, #tpu.memory_space<semaphore_mem>>
      %dma_start3A = arith.constant 0 : i32
      %dma_start3A_36 = tpu.memref_slice %arg15[%add3A_26, %dma_start3A] : memref<10240x80xf32, #tpu.memory_space<vmem_shared>> -> memref<80x80xf32, #tpu.memory_space<vmem_shared>>
      %dma_start3A_37 = arith.constant 0 : i32
      %dma_start3A_38 = tpu.memref_slice %arg15[%add3A_26, %dma_start3A_37] : memref<10240x80xf32, #tpu.memory_space<vmem_shared>> -> memref<80x80xf32, #tpu.memory_space<vmem_shared>>
      tpu.enqueue_dma source(%arg10 : memref<80x80xf32, #tpu.memory_space<vmem>>) target(%dma_start3A_38 : memref<80x80xf32, #tpu.memory_space<vmem_shared>>) target_semaphore(%run_scoped3A : memref<!tpu.dma_semaphore, #tpu.memory_space<semaphore_mem>>)
      %dma_wait3A = arith.constant 0 : i32
      %dma_wait3A_39 = tpu.memref_slice %arg15[%add3A_26, %dma_wait3A] : memref<10240x80xf32, #tpu.memory_space<vmem_shared>> -> memref<80x80xf32, #tpu.memory_space<vmem_shared>>
      %dma_wait3A_40 = arith.constant 0 : i32
      %dma_wait3A_41 = tpu.memref_slice %arg15[%add3A_26, %dma_wait3A_40] : memref<10240x80xf32, #tpu.memory_space<vmem_shared>> -> memref<80x80xf32, #tpu.memory_space<vmem_shared>>
      tpu.wait_dma2 semaphore(%run_scoped3A : memref<!tpu.dma_semaphore, #tpu.memory_space<semaphore_mem>>) src(%arg10 : memref<80x80xf32, #tpu.memory_space<vmem>>) dst(%dma_wait3A_41 : memref<80x80xf32, #tpu.memory_space<vmem_shared>>)
      tpu.yield
    }) : () -> ()
    %add3A_27 = arith.constant 560 : i32
    %add3A_28 = arith.addi %mul3A_12, %add3A_27 : i32
    "tpu.region"() ({
      %run_scoped3A = tpu.sem_alloc : memref<!tpu.dma_semaphore, #tpu.memory_space<semaphore_mem>>
      %dma_start3A = arith.constant 0 : i32
      %dma_start3A_36 = tpu.memref_slice %arg15[%add3A_28, %dma_start3A] : memref<10240x80xf32, #tpu.memory_space<vmem_shared>> -> memref<80x80xf32, #tpu.memory_space<vmem_shared>>
      %dma_start3A_37 = arith.constant 0 : i32
      %dma_start3A_38 = tpu.memref_slice %arg15[%add3A_28, %dma_start3A_37] : memref<10240x80xf32, #tpu.memory_space<vmem_shared>> -> memref<80x80xf32, #tpu.memory_space<vmem_shared>>
      tpu.enqueue_dma source(%arg10 : memref<80x80xf32, #tpu.memory_space<vmem>>) target(%dma_start3A_38 : memref<80x80xf32, #tpu.memory_space<vmem_shared>>) target_semaphore(%run_scoped3A : memref<!tpu.dma_semaphore, #tpu.memory_space<semaphore_mem>>)
      %dma_wait3A = arith.constant 0 : i32
      %dma_wait3A_39 = tpu.memref_slice %arg15[%add3A_28, %dma_wait3A] : memref<10240x80xf32, #tpu.memory_space<vmem_shared>> -> memref<80x80xf32, #tpu.memory_space<vmem_shared>>
      %dma_wait3A_40 = arith.constant 0 : i32
      %dma_wait3A_41 = tpu.memref_slice %arg15[%add3A_28, %dma_wait3A_40] : memref<10240x80xf32, #tpu.memory_space<vmem_shared>> -> memref<80x80xf32, #tpu.memory_space<vmem_shared>>
      tpu.wait_dma2 semaphore(%run_scoped3A : memref<!tpu.dma_semaphore, #tpu.memory_space<semaphore_mem>>) src(%arg10 : memref<80x80xf32, #tpu.memory_space<vmem>>) dst(%dma_wait3A_41 : memref<80x80xf32, #tpu.memory_space<vmem_shared>>)
      tpu.yield
    }) : () -> ()
    %barrier3A = arith.constant 0 : index
    tpu.barrier barrier_id(%barrier3A)
    %scan3A_29 = arith.constant 0 : i32
    %scan3A_30 = arith.constant 0 : i32
    %scan3A_31 = arith.constant 125 : i32
    %scan3A_32 = arith.addi %scan3A_30, %scan3A_31 : i32
    %scan3A_33 = arith.constant 1 : i32
    scf.for %scan3A_36 = %scan3A_30 to %scan3A_32 step %scan3A_33  : i32 {
      %mul3A_37 = arith.constant 10000 : i32
      %mul3A_38 = arith.muli %add3A, %mul3A_37 : i32
      %mul3A_39 = arith.constant 80 : i32
      %mul3A_40 = arith.muli %scan3A_36, %mul3A_39 : i32
      %add3A_41 = arith.addi %mul3A_38, %mul3A_40 : i32
      "tpu.region"() ({
        %run_scoped3A = tpu.sem_alloc : memref<!tpu.dma_semaphore, #tpu.memory_space<semaphore_mem>>
        %dma_start3A_58 = tpu.memref_slice %arg2[%add3A_41] : memref<320000xi32, #tpu.memory_space<hbm>> -> memref<80xi32, #tpu.memory_space<hbm>>
        %dma_start3A_59 = tpu.memref_slice %arg2[%add3A_41] : memref<320000xi32, #tpu.memory_space<hbm>> -> memref<80xi32, #tpu.memory_space<hbm>>
        tpu.enqueue_dma source(%dma_start3A_59 : memref<80xi32, #tpu.memory_space<hbm>>) target(%arg11 : memref<80xi32, #tpu.memory_space<vmem>>) target_semaphore(%run_scoped3A : memref<!tpu.dma_semaphore, #tpu.memory_space<semaphore_mem>>)
        %dma_wait3A_60 = tpu.memref_slice %arg2[%add3A_41] : memref<320000xi32, #tpu.memory_space<hbm>> -> memref<80xi32, #tpu.memory_space<hbm>>
        %dma_wait3A_61 = tpu.memref_slice %arg2[%add3A_41] : memref<320000xi32, #tpu.memory_space<hbm>> -> memref<80xi32, #tpu.memory_space<hbm>>
        tpu.wait_dma2 semaphore(%run_scoped3A : memref<!tpu.dma_semaphore, #tpu.memory_space<semaphore_mem>>) src(%dma_wait3A_61 : memref<80xi32, #tpu.memory_space<hbm>>) dst(%arg11 : memref<80xi32, #tpu.memory_space<vmem>>)
        tpu.yield
      }) : () -> ()
      "tpu.region"() ({
        %run_scoped3A = tpu.sem_alloc : memref<!tpu.dma_semaphore, #tpu.memory_space<semaphore_mem>>
        %dma_start3A_58 = tpu.memref_slice %arg3[%add3A_41] : memref<320000xi32, #tpu.memory_space<hbm>> -> memref<80xi32, #tpu.memory_space<hbm>>
        %dma_start3A_59 = tpu.memref_slice %arg3[%add3A_41] : memref<320000xi32, #tpu.memory_space<hbm>> -> memref<80xi32, #tpu.memory_space<hbm>>
        tpu.enqueue_dma source(%dma_start3A_59 : memref<80xi32, #tpu.memory_space<hbm>>) target(%arg12 : memref<80xi32, #tpu.memory_space<vmem>>) target_semaphore(%run_scoped3A : memref<!tpu.dma_semaphore, #tpu.memory_space<semaphore_mem>>)
        %dma_wait3A_60 = tpu.memref_slice %arg3[%add3A_41] : memref<320000xi32, #tpu.memory_space<hbm>> -> memref<80xi32, #tpu.memory_space<hbm>>
        %dma_wait3A_61 = tpu.memref_slice %arg3[%add3A_41] : memref<320000xi32, #tpu.memory_space<hbm>> -> memref<80xi32, #tpu.memory_space<hbm>>
        tpu.wait_dma2 semaphore(%run_scoped3A : memref<!tpu.dma_semaphore, #tpu.memory_space<semaphore_mem>>) src(%dma_wait3A_61 : memref<80xi32, #tpu.memory_space<hbm>>) dst(%arg12 : memref<80xi32, #tpu.memory_space<vmem>>)
        tpu.yield
      }) : () -> ()
      %dma_start3A = arith.constant 0 : i32
      %dma_start3A_42 = arith.constant 0 : i32
      %dma_start3A_43 = tpu.memref_slice %arg4[%dma_start3A, %dma_start3A_42] : memref<10000x64xf32, #tpu.memory_space<hbm>> -> memref<10000x64xf32, #tpu.memory_space<hbm>>
      tpu.enqueue_indirect_dma source(%dma_start3A_43 : memref<10000x64xf32, #tpu.memory_space<hbm>>) target(%arg9 : memref<80x64xf32, #tpu.memory_space<vmem>>) offsets(%arg11 : memref<80xi32, #tpu.memory_space<vmem>>) semaphore(%arg16 : memref<!tpu.dma_semaphore, #tpu.memory_space<semaphore_mem>>)
      %dma_wait3A = arith.constant 0 : i32
      %dma_wait3A_44 = arith.constant 0 : i32
      %dma_wait3A_45 = tpu.memref_slice %arg4[%dma_wait3A, %dma_wait3A_44] : memref<10000x64xf32, #tpu.memory_space<hbm>> -> memref<10000x64xf32, #tpu.memory_space<hbm>>
      tpu.wait_indirect_dma semaphore(%arg16 : memref<!tpu.dma_semaphore, #tpu.memory_space<semaphore_mem>>) src(%dma_wait3A_45 : memref<10000x64xf32, #tpu.memory_space<hbm>>) dst(%arg9 : memref<80x64xf32, #tpu.memory_space<vmem>>)
      %scan3A_46 = arith.constant 0 : i32
      %scan3A_47 = arith.constant 0 : i32
      %scan3A_48 = arith.constant 5 : i32
      %scan3A_49 = arith.addi %scan3A_47, %scan3A_48 : i32
      %scan3A_50 = arith.constant 1 : i32
      scf.for %scan3A_58 = %scan3A_47 to %scan3A_49 step %scan3A_50  : i32 {
        %mul3A_59 = arith.constant 16 : i32
        %mul3A_60 = arith.muli %scan3A_58, %mul3A_59 : i32
        %get3A_61 = arith.index_cast %mul3A_60 : i32 to index
        %get3A_62 = tpu.vector_load %arg11[%get3A_61] {strides = array<i32>} : memref<80xi32, #tpu.memory_space<vmem>>, vector<16xi32>,
        %mul3A_63 = arith.constant 16 : i32
        %mul3A_64 = arith.muli %scan3A_58, %mul3A_63 : i32
        %get3A_65 = arith.index_cast %mul3A_64 : i32 to index
        %get3A_66 = tpu.vector_load %arg12[%get3A_65] {strides = array<i32>} : memref<80xi32, #tpu.memory_space<vmem>>, vector<16xi32>,
        %mul3A_67 = arith.constant 2 : i32
        %mul3A_68 = vector.broadcast %mul3A_67 : i32 to vector<16xi32>
        %mul3A_69 = arith.muli %get3A_62, %mul3A_68 : vector<16xi32>
        %gather3A = tpu.vector_load_idx %arg8[%mul3A_69] : memref<20000xf32, #tpu.memory_space<vmem>>[vector<16xi32>], vector<16xf32>,
        %mul3A_70 = arith.constant 2 : i32
        %mul3A_71 = vector.broadcast %mul3A_70 : i32 to vector<16xi32>
        %mul3A_72 = arith.muli %get3A_66, %mul3A_71 : vector<16xi32>
        %add3A_73 = arith.constant 1 : i32
        %add3A_74 = vector.broadcast %add3A_73 : i32 to vector<16xi32>
        %add3A_75 = arith.addi %mul3A_72, %add3A_74 : vector<16xi32>
        %gather3A_76 = tpu.vector_load_idx %arg8[%add3A_75] : memref<20000xf32, #tpu.memory_space<vmem>>[vector<16xi32>], vector<16xf32>,
        %add3A_77 = arith.addf %gather3A, %gather3A_76 : vector<16xf32>
        %gt3A = arith.constant 0.000000e+00 : f32
        %gt3A_78 = vector.broadcast %gt3A : f32 to vector<16xf32>
        %gt3A_79 = arith.cmpf ogt, %add3A_77, %gt3A_78 : vector<16xf32>
        %mul3A_80 = arith.constant 2.000000e-01 : f32
        %mul3A_81 = vector.broadcast %mul3A_80 : f32 to vector<16xf32>
        %mul3A_82 = arith.mulf %mul3A_81, %add3A_77 : vector<16xf32>
        %select_n3A_83 = arith.select %gt3A_79, %add3A_77, %mul3A_82 : vector<16xi1>, vector<16xf32>
        %sub3A = arith.subf %select_n3A_83, %get3A_5 : vector<16xf32>
        %exp3A = math.exp %sub3A : vector<16xf32>
        %mul3A_84 = arith.constant 16 : i32
        %mul3A_85 = arith.muli %scan3A_58, %mul3A_84 : i32
        %swap3A = arith.index_cast %mul3A_85 : i32 to index
        %swap3A_86 = tpu.vector_load %arg13[%swap3A] {strides = array<i32>} : memref<80xf32, #tpu.memory_space<vmem>>, vector<16xf32>,
        tpu.vector_store %arg13[%swap3A], %exp3A {strides = array<i32>} : memref<80xf32, #tpu.memory_space<vmem>>, vector<16xf32>,
      }
      %scan3A_51 = arith.constant 5 : i32
      %scan3A_52 = arith.constant 0 : i32
      %scan3A_53 = arith.constant 0 : i32
      %scan3A_54 = arith.constant 80 : i32
      %scan3A_55 = arith.addi %scan3A_53, %scan3A_54 : i32
      %scan3A_56 = arith.constant 1 : i32
      scf.for %scan3A_58 = %scan3A_53 to %scan3A_55 step %scan3A_56  : i32 {
        %broadcast_in_dim3A_59 = vector.broadcast %scan3A_58 : i32 to vector<16xi32>
        %gather3A = tpu.vector_load_idx %arg13[%broadcast_in_dim3A_59] : memref<80xf32, #tpu.memory_space<vmem>>[vector<16xi32>], vector<16xf32>,
        %get3A_60 = arith.index_cast %scan3A_58 : i32 to index
        %get3A_61 = arith.constant 0 : index
        %get3A_62 = tpu.vector_load %arg9[%get3A_60, %get3A_61] {strides = array<i32>} : memref<80x64xf32, #tpu.memory_space<vmem>>, vector<16xf32>,
        %mul3A_63 = arith.mulf %get3A_62, %gather3A : vector<16xf32>
        %swap3A = arith.index_cast %scan3A_58 : i32 to index
        %swap3A_64 = arith.constant 0 : index
        %swap3A_65 = tpu.vector_load %arg10[%swap3A, %swap3A_64] {strides = array<i32>} : memref<80x80xf32, #tpu.memory_space<vmem>>, vector<16xf32>,
        tpu.vector_store %arg10[%swap3A, %swap3A_64], %mul3A_63 {strides = array<i32>} : memref<80x80xf32, #tpu.memory_space<vmem>>, vector<16xf32>,
        %get3A_66 = arith.index_cast %scan3A_58 : i32 to index
        %get3A_67 = arith.constant 16 : index
        %get3A_68 = tpu.vector_load %arg9[%get3A_66, %get3A_67] {strides = array<i32>} : memref<80x64xf32, #tpu.memory_space<vmem>>, vector<16xf32>,
        %mul3A_69 = arith.mulf %get3A_68, %gather3A : vector<16xf32>
        %swap3A_70 = arith.index_cast %scan3A_58 : i32 to index
        %swap3A_71 = arith.constant 16 : index
        %swap3A_72 = tpu.vector_load %arg10[%swap3A_70, %swap3A_71] {strides = array<i32>} : memref<80x80xf32, #tpu.memory_space<vmem>>, vector<16xf32>,
        tpu.vector_store %arg10[%swap3A_70, %swap3A_71], %mul3A_69 {strides = array<i32>} : memref<80x80xf32, #tpu.memory_space<vmem>>, vector<16xf32>,
        %get3A_73 = arith.index_cast %scan3A_58 : i32 to index
        %get3A_74 = arith.constant 32 : index
        %get3A_75 = tpu.vector_load %arg9[%get3A_73, %get3A_74] {strides = array<i32>} : memref<80x64xf32, #tpu.memory_space<vmem>>, vector<16xf32>,
        %mul3A_76 = arith.mulf %get3A_75, %gather3A : vector<16xf32>
        %swap3A_77 = arith.index_cast %scan3A_58 : i32 to index
        %swap3A_78 = arith.constant 32 : index
        %swap3A_79 = tpu.vector_load %arg10[%swap3A_77, %swap3A_78] {strides = array<i32>} : memref<80x80xf32, #tpu.memory_space<vmem>>, vector<16xf32>,
        tpu.vector_store %arg10[%swap3A_77, %swap3A_78], %mul3A_76 {strides = array<i32>} : memref<80x80xf32, #tpu.memory_space<vmem>>, vector<16xf32>,
        %get3A_80 = arith.index_cast %scan3A_58 : i32 to index
        %get3A_81 = arith.constant 48 : index
        %get3A_82 = tpu.vector_load %arg9[%get3A_80, %get3A_81] {strides = array<i32>} : memref<80x64xf32, #tpu.memory_space<vmem>>, vector<16xf32>,
        %mul3A_83 = arith.mulf %get3A_82, %gather3A : vector<16xf32>
        %swap3A_84 = arith.index_cast %scan3A_58 : i32 to index
        %swap3A_85 = arith.constant 48 : index
        %swap3A_86 = tpu.vector_load %arg10[%swap3A_84, %swap3A_85] {strides = array<i32>} : memref<80x80xf32, #tpu.memory_space<vmem>>, vector<16xf32>,
        tpu.vector_store %arg10[%swap3A_84, %swap3A_85], %mul3A_83 {strides = array<i32>} : memref<80x80xf32, #tpu.memory_space<vmem>>, vector<16xf32>,
        %mul3A_87 = arith.mulf %gather3A, %select_n3A : vector<16xf32>
        %swap3A_88 = arith.index_cast %scan3A_58 : i32 to index
        %swap3A_89 = arith.constant 64 : index
        %swap3A_90 = tpu.vector_load %arg10[%swap3A_88, %swap3A_89] {strides = array<i32>} : memref<80x80xf32, #tpu.memory_space<vmem>>, vector<16xf32>,
        tpu.vector_store %arg10[%swap3A_88, %swap3A_89], %mul3A_87 {strides = array<i32>} : memref<80x80xf32, #tpu.memory_space<vmem>>, vector<16xf32>,
      }
      %scan3A_57 = arith.constant 80 : i32
      "tpu.region"() ({
        %run_scoped3A = tpu.sem_alloc : memref<!tpu.dma_semaphore, #tpu.memory_space<semaphore_mem>>
        %dma_start3A_58 = arith.constant 0 : i32
        %dma_start3A_59 = arith.constant 0 : i32
        %dma_start3A_60 = tpu.memref_slice %arg15[%dma_start3A_58, %dma_start3A_59] : memref<10240x80xf32, #tpu.memory_space<vmem_shared>> -> memref<10240x80xf32, #tpu.memory_space<vmem_shared>>
        tpu.enqueue_indirect_dma source(%arg10 : memref<80x80xf32, #tpu.memory_space<vmem>>) target(%dma_start3A_60 : memref<10240x80xf32, #tpu.memory_space<vmem_shared>>) offsets(%arg12 : memref<80xi32, #tpu.memory_space<vmem>>) semaphore(%run_scoped3A : memref<!tpu.dma_semaphore, #tpu.memory_space<semaphore_mem>>) {add = true}
        %dma_wait3A_61 = arith.constant 0 : i32
        %dma_wait3A_62 = arith.constant 0 : i32
        %dma_wait3A_63 = tpu.memref_slice %arg15[%dma_wait3A_61, %dma_wait3A_62] : memref<10240x80xf32, #tpu.memory_space<vmem_shared>> -> memref<10240x80xf32, #tpu.memory_space<vmem_shared>>
        tpu.wait_indirect_dma semaphore(%run_scoped3A : memref<!tpu.dma_semaphore, #tpu.memory_space<semaphore_mem>>) src(%arg10 : memref<80x80xf32, #tpu.memory_space<vmem>>) dst(%dma_wait3A_63 : memref<10240x80xf32, #tpu.memory_space<vmem_shared>>)
        tpu.yield
      }) : () -> ()
    }
    %scan3A_34 = arith.constant 125 : i32
    %barrier3A_35 = arith.constant 0 : index
    tpu.barrier barrier_id(%barrier3A_35)
    "tpu.region"() ({
      %run_scoped3A = tpu.sem_alloc : memref<!tpu.dma_semaphore, #tpu.memory_space<semaphore_mem>>
      %dma_start3A = arith.constant 0 : i32
      %dma_start3A_36 = tpu.memref_slice %arg7[%arg0, %mul3A_12, %dma_start3A] : memref<2x10240x80xf32, #tpu.memory_space<hbm>> -> memref<1x640x80xf32, #tpu.memory_space<hbm>>
      %dma_start3A_37 = tpu.memref_squeeze %dma_start3A_36 : memref<1x640x80xf32, #tpu.memory_space<hbm>> -> memref<640x80xf32, #tpu.memory_space<hbm>>
      %dma_start3A_38 = arith.constant 0 : i32
      %dma_start3A_39 = tpu.memref_slice %arg15[%mul3A_12, %dma_start3A_38] : memref<10240x80xf32, #tpu.memory_space<vmem_shared>> -> memref<640x80xf32, #tpu.memory_space<vmem_shared>>
      tpu.enqueue_dma source(%dma_start3A_39 : memref<640x80xf32, #tpu.memory_space<vmem_shared>>) target(%dma_start3A_37 : memref<640x80xf32, #tpu.memory_space<hbm>>) target_semaphore(%run_scoped3A : memref<!tpu.dma_semaphore, #tpu.memory_space<semaphore_mem>>)
      %dma_wait3A = arith.constant 0 : i32
      %dma_wait3A_40 = tpu.memref_slice %arg7[%arg0, %mul3A_12, %dma_wait3A] : memref<2x10240x80xf32, #tpu.memory_space<hbm>> -> memref<1x640x80xf32, #tpu.memory_space<hbm>>
      %dma_wait3A_41 = tpu.memref_squeeze %dma_wait3A_40 : memref<1x640x80xf32, #tpu.memory_space<hbm>> -> memref<640x80xf32, #tpu.memory_space<hbm>>
      %dma_wait3A_42 = arith.constant 0 : i32
      %dma_wait3A_43 = tpu.memref_slice %arg15[%mul3A_12, %dma_wait3A_42] : memref<10240x80xf32, #tpu.memory_space<vmem_shared>> -> memref<640x80xf32, #tpu.memory_space<vmem_shared>>
      tpu.wait_dma2 semaphore(%run_scoped3A : memref<!tpu.dma_semaphore, #tpu.memory_space<semaphore_mem>>) src(%dma_wait3A_43 : memref<640x80xf32, #tpu.memory_space<vmem_shared>>) dst(%dma_wait3A_41 : memref<640x80xf32, #tpu.memory_space<hbm>>)
      tpu.yield
    }) : () -> ()
    return
  }
}

#map = affine_map<(d0, d1) -> (0)>
#map1 = affine_map<(d0, d1) -> (0, 0)>
#map2 = affine_map<(d0, d1) -> (0, 0, 0)>
module attributes {stable_mosaic.version = 14 : i64} {
  func.func @_sc_body(%arg0: i32, %arg1: i32, %arg2: memref<320000xi32, #tpu.memory_space<hbm>>, %arg3: memref<320000xi32, #tpu.memory_space<hbm>>, %arg4: memref<10000x64xf32, #tpu.memory_space<hbm>>, %arg5: memref<20000xf32, #tpu.memory_space<hbm>>, %arg6: memref<32xf32, #tpu.memory_space<hbm>>, %arg7: memref<2x10240x80xf32, #tpu.memory_space<hbm>>, %arg8: memref<20000xf32, #tpu.memory_space<vmem>>, %arg9: memref<80x64xf32, #tpu.memory_space<vmem>>, %arg10: memref<80x80xf32, #tpu.memory_space<vmem>>, %arg11: memref<80xi32, #tpu.memory_space<vmem>>, %arg12: memref<80xi32, #tpu.memory_space<vmem>>, %arg13: memref<80xf32, #tpu.memory_space<vmem>>, %arg14: memref<32xf32, #tpu.memory_space<vmem>>, %arg15: memref<10240x80xf32, #tpu.memory_space<vmem_shared>>, %arg16: memref<!tpu.dma_semaphore, #tpu.memory_space<semaphore_mem>>) attributes {dimension_semantics = [#tpu.dimension_semantics<core_parallel>, #tpu.dimension_semantics<subcore_parallel>], iteration_bounds = array<i64: 2, 16>, scalar_prefetch = 0 : i64, scratch_operands = 9 : i64, tpu.core_type = #tpu.core_type<sc_vector_subcore>, window_params = [{transform_indices = #map}, {transform_indices = #map}, {transform_indices = #map1}, {transform_indices = #map}, {transform_indices = #map}, {transform_indices = #map2}]} {
    %mul3A = arith.constant 16 : i32
    %mul3A_0 = arith.muli %arg0, %mul3A : i32
    %add3A = arith.addi %mul3A_0, %arg1 : i32
    %iota3A = tpu.iota {dimensions = array<i32: 0>} : vector<16xi32>
    %eq3A = arith.constant 0 : i32
    %eq3A_1 = vector.broadcast %eq3A : i32 to vector<16xi32>
    %eq3A_2 = arith.cmpi eq, %iota3A, %eq3A_1 : vector<16xi32>
    %jit3A = arith.constant 1.000000e+00 : f32
    %jit3A_3 = arith.constant 0.000000e+00 : f32
    %broadcast_in_dim3A = vector.broadcast %jit3A : f32 to vector<16xf32>
    %broadcast_in_dim3A_4 = vector.broadcast %jit3A_3 : f32 to vector<16xf32>
    %select_n3A = arith.select %eq3A_2, %broadcast_in_dim3A, %broadcast_in_dim3A_4 : vector<16xi1>, vector<16xf32>
    "tpu.region"() ({
      %run_scoped3A = tpu.sem_alloc : memref<!tpu.dma_semaphore, #tpu.memory_space<semaphore_mem>>
      tpu.enqueue_dma source(%arg5 : memref<20000xf32, #tpu.memory_space<hbm>>) target(%arg8 : memref<20000xf32, #tpu.memory_space<vmem>>) target_semaphore(%run_scoped3A : memref<!tpu.dma_semaphore, #tpu.memory_space<semaphore_mem>>)
      tpu.wait_dma2 semaphore(%run_scoped3A : memref<!tpu.dma_semaphore, #tpu.memory_space<semaphore_mem>>) src(%arg5 : memref<20000xf32, #tpu.memory_space<hbm>>) dst(%arg8 : memref<20000xf32, #tpu.memory_space<vmem>>)
      tpu.yield
    }) : () -> ()
    "tpu.region"() ({
      %run_scoped3A = tpu.sem_alloc : memref<!tpu.dma_semaphore, #tpu.memory_space<semaphore_mem>>
      tpu.enqueue_dma source(%arg6 : memref<32xf32, #tpu.memory_space<hbm>>) target(%arg14 : memref<32xf32, #tpu.memory_space<vmem>>) target_semaphore(%run_scoped3A : memref<!tpu.dma_semaphore, #tpu.memory_space<semaphore_mem>>)
      tpu.wait_dma2 semaphore(%run_scoped3A : memref<!tpu.dma_semaphore, #tpu.memory_space<semaphore_mem>>) src(%arg6 : memref<32xf32, #tpu.memory_space<hbm>>) dst(%arg14 : memref<32xf32, #tpu.memory_space<vmem>>)
      tpu.yield
    }) : () -> ()
    %get3A = arith.constant 0 : index
    %get3A_5 = tpu.vector_load %arg14[%get3A] {strides = array<i32>} : memref<32xf32, #tpu.memory_space<vmem>>, vector<16xf32>,
    %scan3A = arith.constant 0 : i32
    %scan3A_6 = arith.constant 0 : i32
    %scan3A_7 = arith.constant 80 : i32
    %scan3A_8 = arith.addi %scan3A_6, %scan3A_7 : i32
    %scan3A_9 = arith.constant 1 : i32
    scf.for %scan3A_36 = %scan3A_6 to %scan3A_8 step %scan3A_9  : i32 {
      %broadcast_in_dim3A_37 = arith.constant 0.000000e+00 : f32
      %broadcast_in_dim3A_38 = vector.broadcast %broadcast_in_dim3A_37 : f32 to vector<16xf32>
      %swap3A = arith.index_cast %scan3A_36 : i32 to index
      %swap3A_39 = arith.constant 0 : index
      %swap3A_40 = tpu.vector_load %arg10[%swap3A, %swap3A_39] {strides = array<i32>} : memref<80x80xf32, #tpu.memory_space<vmem>>, vector<16xf32>,
      tpu.vector_store %arg10[%swap3A, %swap3A_39], %broadcast_in_dim3A_38 {strides = array<i32>} : memref<80x80xf32, #tpu.memory_space<vmem>>, vector<16xf32>,
      %broadcast_in_dim3A_41 = arith.constant 0.000000e+00 : f32
      %broadcast_in_dim3A_42 = vector.broadcast %broadcast_in_dim3A_41 : f32 to vector<16xf32>
      %swap3A_43 = arith.index_cast %scan3A_36 : i32 to index
      %swap3A_44 = arith.constant 16 : index
      %swap3A_45 = tpu.vector_load %arg10[%swap3A_43, %swap3A_44] {strides = array<i32>} : memref<80x80xf32, #tpu.memory_space<vmem>>, vector<16xf32>,
      tpu.vector_store %arg10[%swap3A_43, %swap3A_44], %broadcast_in_dim3A_42 {strides = array<i32>} : memref<80x80xf32, #tpu.memory_space<vmem>>, vector<16xf32>,
      %broadcast_in_dim3A_46 = arith.constant 0.000000e+00 : f32
      %broadcast_in_dim3A_47 = vector.broadcast %broadcast_in_dim3A_46 : f32 to vector<16xf32>
      %swap3A_48 = arith.index_cast %scan3A_36 : i32 to index
      %swap3A_49 = arith.constant 32 : index
      %swap3A_50 = tpu.vector_load %arg10[%swap3A_48, %swap3A_49] {strides = array<i32>} : memref<80x80xf32, #tpu.memory_space<vmem>>, vector<16xf32>,
      tpu.vector_store %arg10[%swap3A_48, %swap3A_49], %broadcast_in_dim3A_47 {strides = array<i32>} : memref<80x80xf32, #tpu.memory_space<vmem>>, vector<16xf32>,
      %broadcast_in_dim3A_51 = arith.constant 0.000000e+00 : f32
      %broadcast_in_dim3A_52 = vector.broadcast %broadcast_in_dim3A_51 : f32 to vector<16xf32>
      %swap3A_53 = arith.index_cast %scan3A_36 : i32 to index
      %swap3A_54 = arith.constant 48 : index
      %swap3A_55 = tpu.vector_load %arg10[%swap3A_53, %swap3A_54] {strides = array<i32>} : memref<80x80xf32, #tpu.memory_space<vmem>>, vector<16xf32>,
      tpu.vector_store %arg10[%swap3A_53, %swap3A_54], %broadcast_in_dim3A_52 {strides = array<i32>} : memref<80x80xf32, #tpu.memory_space<vmem>>, vector<16xf32>,
      %broadcast_in_dim3A_56 = arith.constant 0.000000e+00 : f32
      %broadcast_in_dim3A_57 = vector.broadcast %broadcast_in_dim3A_56 : f32 to vector<16xf32>
      %swap3A_58 = arith.index_cast %scan3A_36 : i32 to index
      %swap3A_59 = arith.constant 64 : index
      %swap3A_60 = tpu.vector_load %arg10[%swap3A_58, %swap3A_59] {strides = array<i32>} : memref<80x80xf32, #tpu.memory_space<vmem>>, vector<16xf32>,
      tpu.vector_store %arg10[%swap3A_58, %swap3A_59], %broadcast_in_dim3A_57 {strides = array<i32>} : memref<80x80xf32, #tpu.memory_space<vmem>>, vector<16xf32>,
    }
    %scan3A_10 = arith.constant 80 : i32
    %mul3A_11 = arith.constant 640 : i32
    %mul3A_12 = arith.muli %arg1, %mul3A_11 : i32
    %add3A_13 = arith.constant 0 : i32
    %add3A_14 = arith.addi %mul3A_12, %add3A_13 : i32
    "tpu.region"() ({
      %run_scoped3A = tpu.sem_alloc : memref<!tpu.dma_semaphore, #tpu.memory_space<semaphore_mem>>
      %dma_start3A = arith.constant 0 : i32
      %dma_start3A_36 = tpu.memref_slice %arg15[%add3A_14, %dma_start3A] : memref<10240x80xf32, #tpu.memory_space<vmem_shared>> -> memref<80x80xf32, #tpu.memory_space<vmem_shared>>
      %dma_start3A_37 = arith.constant 0 : i32
      %dma_start3A_38 = tpu.memref_slice %arg15[%add3A_14, %dma_start3A_37] : memref<10240x80xf32, #tpu.memory_space<vmem_shared>> -> memref<80x80xf32, #tpu.memory_space<vmem_shared>>
      tpu.enqueue_dma source(%arg10 : memref<80x80xf32, #tpu.memory_space<vmem>>) target(%dma_start3A_38 : memref<80x80xf32, #tpu.memory_space<vmem_shared>>) target_semaphore(%run_scoped3A : memref<!tpu.dma_semaphore, #tpu.memory_space<semaphore_mem>>)
      %dma_wait3A = arith.constant 0 : i32
      %dma_wait3A_39 = tpu.memref_slice %arg15[%add3A_14, %dma_wait3A] : memref<10240x80xf32, #tpu.memory_space<vmem_shared>> -> memref<80x80xf32, #tpu.memory_space<vmem_shared>>
      %dma_wait3A_40 = arith.constant 0 : i32
      %dma_wait3A_41 = tpu.memref_slice %arg15[%add3A_14, %dma_wait3A_40] : memref<10240x80xf32, #tpu.memory_space<vmem_shared>> -> memref<80x80xf32, #tpu.memory_space<vmem_shared>>
      tpu.wait_dma2 semaphore(%run_scoped3A : memref<!tpu.dma_semaphore, #tpu.memory_space<semaphore_mem>>) src(%arg10 : memref<80x80xf32, #tpu.memory_space<vmem>>) dst(%dma_wait3A_41 : memref<80x80xf32, #tpu.memory_space<vmem_shared>>)
      tpu.yield
    }) : () -> ()
    %add3A_15 = arith.constant 80 : i32
    %add3A_16 = arith.addi %mul3A_12, %add3A_15 : i32
    "tpu.region"() ({
      %run_scoped3A = tpu.sem_alloc : memref<!tpu.dma_semaphore, #tpu.memory_space<semaphore_mem>>
      %dma_start3A = arith.constant 0 : i32
      %dma_start3A_36 = tpu.memref_slice %arg15[%add3A_16, %dma_start3A] : memref<10240x80xf32, #tpu.memory_space<vmem_shared>> -> memref<80x80xf32, #tpu.memory_space<vmem_shared>>
      %dma_start3A_37 = arith.constant 0 : i32
      %dma_start3A_38 = tpu.memref_slice %arg15[%add3A_16, %dma_start3A_37] : memref<10240x80xf32, #tpu.memory_space<vmem_shared>> -> memref<80x80xf32, #tpu.memory_space<vmem_shared>>
      tpu.enqueue_dma source(%arg10 : memref<80x80xf32, #tpu.memory_space<vmem>>) target(%dma_start3A_38 : memref<80x80xf32, #tpu.memory_space<vmem_shared>>) target_semaphore(%run_scoped3A : memref<!tpu.dma_semaphore, #tpu.memory_space<semaphore_mem>>)
      %dma_wait3A = arith.constant 0 : i32
      %dma_wait3A_39 = tpu.memref_slice %arg15[%add3A_16, %dma_wait3A] : memref<10240x80xf32, #tpu.memory_space<vmem_shared>> -> memref<80x80xf32, #tpu.memory_space<vmem_shared>>
      %dma_wait3A_40 = arith.constant 0 : i32
      %dma_wait3A_41 = tpu.memref_slice %arg15[%add3A_16, %dma_wait3A_40] : memref<10240x80xf32, #tpu.memory_space<vmem_shared>> -> memref<80x80xf32, #tpu.memory_space<vmem_shared>>
      tpu.wait_dma2 semaphore(%run_scoped3A : memref<!tpu.dma_semaphore, #tpu.memory_space<semaphore_mem>>) src(%arg10 : memref<80x80xf32, #tpu.memory_space<vmem>>) dst(%dma_wait3A_41 : memref<80x80xf32, #tpu.memory_space<vmem_shared>>)
      tpu.yield
    }) : () -> ()
    %add3A_17 = arith.constant 160 : i32
    %add3A_18 = arith.addi %mul3A_12, %add3A_17 : i32
    "tpu.region"() ({
      %run_scoped3A = tpu.sem_alloc : memref<!tpu.dma_semaphore, #tpu.memory_space<semaphore_mem>>
      %dma_start3A = arith.constant 0 : i32
      %dma_start3A_36 = tpu.memref_slice %arg15[%add3A_18, %dma_start3A] : memref<10240x80xf32, #tpu.memory_space<vmem_shared>> -> memref<80x80xf32, #tpu.memory_space<vmem_shared>>
      %dma_start3A_37 = arith.constant 0 : i32
      %dma_start3A_38 = tpu.memref_slice %arg15[%add3A_18, %dma_start3A_37] : memref<10240x80xf32, #tpu.memory_space<vmem_shared>> -> memref<80x80xf32, #tpu.memory_space<vmem_shared>>
      tpu.enqueue_dma source(%arg10 : memref<80x80xf32, #tpu.memory_space<vmem>>) target(%dma_start3A_38 : memref<80x80xf32, #tpu.memory_space<vmem_shared>>) target_semaphore(%run_scoped3A : memref<!tpu.dma_semaphore, #tpu.memory_space<semaphore_mem>>)
      %dma_wait3A = arith.constant 0 : i32
      %dma_wait3A_39 = tpu.memref_slice %arg15[%add3A_18, %dma_wait3A] : memref<10240x80xf32, #tpu.memory_space<vmem_shared>> -> memref<80x80xf32, #tpu.memory_space<vmem_shared>>
      %dma_wait3A_40 = arith.constant 0 : i32
      %dma_wait3A_41 = tpu.memref_slice %arg15[%add3A_18, %dma_wait3A_40] : memref<10240x80xf32, #tpu.memory_space<vmem_shared>> -> memref<80x80xf32, #tpu.memory_space<vmem_shared>>
      tpu.wait_dma2 semaphore(%run_scoped3A : memref<!tpu.dma_semaphore, #tpu.memory_space<semaphore_mem>>) src(%arg10 : memref<80x80xf32, #tpu.memory_space<vmem>>) dst(%dma_wait3A_41 : memref<80x80xf32, #tpu.memory_space<vmem_shared>>)
      tpu.yield
    }) : () -> ()
    %add3A_19 = arith.constant 240 : i32
    %add3A_20 = arith.addi %mul3A_12, %add3A_19 : i32
    "tpu.region"() ({
      %run_scoped3A = tpu.sem_alloc : memref<!tpu.dma_semaphore, #tpu.memory_space<semaphore_mem>>
      %dma_start3A = arith.constant 0 : i32
      %dma_start3A_36 = tpu.memref_slice %arg15[%add3A_20, %dma_start3A] : memref<10240x80xf32, #tpu.memory_space<vmem_shared>> -> memref<80x80xf32, #tpu.memory_space<vmem_shared>>
      %dma_start3A_37 = arith.constant 0 : i32
      %dma_start3A_38 = tpu.memref_slice %arg15[%add3A_20, %dma_start3A_37] : memref<10240x80xf32, #tpu.memory_space<vmem_shared>> -> memref<80x80xf32, #tpu.memory_space<vmem_shared>>
      tpu.enqueue_dma source(%arg10 : memref<80x80xf32, #tpu.memory_space<vmem>>) target(%dma_start3A_38 : memref<80x80xf32, #tpu.memory_space<vmem_shared>>) target_semaphore(%run_scoped3A : memref<!tpu.dma_semaphore, #tpu.memory_space<semaphore_mem>>)
      %dma_wait3A = arith.constant 0 : i32
      %dma_wait3A_39 = tpu.memref_slice %arg15[%add3A_20, %dma_wait3A] : memref<10240x80xf32, #tpu.memory_space<vmem_shared>> -> memref<80x80xf32, #tpu.memory_space<vmem_shared>>
      %dma_wait3A_40 = arith.constant 0 : i32
      %dma_wait3A_41 = tpu.memref_slice %arg15[%add3A_20, %dma_wait3A_40] : memref<10240x80xf32, #tpu.memory_space<vmem_shared>> -> memref<80x80xf32, #tpu.memory_space<vmem_shared>>
      tpu.wait_dma2 semaphore(%run_scoped3A : memref<!tpu.dma_semaphore, #tpu.memory_space<semaphore_mem>>) src(%arg10 : memref<80x80xf32, #tpu.memory_space<vmem>>) dst(%dma_wait3A_41 : memref<80x80xf32, #tpu.memory_space<vmem_shared>>)
      tpu.yield
    }) : () -> ()
    %add3A_21 = arith.constant 320 : i32
    %add3A_22 = arith.addi %mul3A_12, %add3A_21 : i32
    "tpu.region"() ({
      %run_scoped3A = tpu.sem_alloc : memref<!tpu.dma_semaphore, #tpu.memory_space<semaphore_mem>>
      %dma_start3A = arith.constant 0 : i32
      %dma_start3A_36 = tpu.memref_slice %arg15[%add3A_22, %dma_start3A] : memref<10240x80xf32, #tpu.memory_space<vmem_shared>> -> memref<80x80xf32, #tpu.memory_space<vmem_shared>>
      %dma_start3A_37 = arith.constant 0 : i32
      %dma_start3A_38 = tpu.memref_slice %arg15[%add3A_22, %dma_start3A_37] : memref<10240x80xf32, #tpu.memory_space<vmem_shared>> -> memref<80x80xf32, #tpu.memory_space<vmem_shared>>
      tpu.enqueue_dma source(%arg10 : memref<80x80xf32, #tpu.memory_space<vmem>>) target(%dma_start3A_38 : memref<80x80xf32, #tpu.memory_space<vmem_shared>>) target_semaphore(%run_scoped3A : memref<!tpu.dma_semaphore, #tpu.memory_space<semaphore_mem>>)
      %dma_wait3A = arith.constant 0 : i32
      %dma_wait3A_39 = tpu.memref_slice %arg15[%add3A_22, %dma_wait3A] : memref<10240x80xf32, #tpu.memory_space<vmem_shared>> -> memref<80x80xf32, #tpu.memory_space<vmem_shared>>
      %dma_wait3A_40 = arith.constant 0 : i32
      %dma_wait3A_41 = tpu.memref_slice %arg15[%add3A_22, %dma_wait3A_40] : memref<10240x80xf32, #tpu.memory_space<vmem_shared>> -> memref<80x80xf32, #tpu.memory_space<vmem_shared>>
      tpu.wait_dma2 semaphore(%run_scoped3A : memref<!tpu.dma_semaphore, #tpu.memory_space<semaphore_mem>>) src(%arg10 : memref<80x80xf32, #tpu.memory_space<vmem>>) dst(%dma_wait3A_41 : memref<80x80xf32, #tpu.memory_space<vmem_shared>>)
      tpu.yield
    }) : () -> ()
    %add3A_23 = arith.constant 400 : i32
    %add3A_24 = arith.addi %mul3A_12, %add3A_23 : i32
    "tpu.region"() ({
      %run_scoped3A = tpu.sem_alloc : memref<!tpu.dma_semaphore, #tpu.memory_space<semaphore_mem>>
      %dma_start3A = arith.constant 0 : i32
      %dma_start3A_36 = tpu.memref_slice %arg15[%add3A_24, %dma_start3A] : memref<10240x80xf32, #tpu.memory_space<vmem_shared>> -> memref<80x80xf32, #tpu.memory_space<vmem_shared>>
      %dma_start3A_37 = arith.constant 0 : i32
      %dma_start3A_38 = tpu.memref_slice %arg15[%add3A_24, %dma_start3A_37] : memref<10240x80xf32, #tpu.memory_space<vmem_shared>> -> memref<80x80xf32, #tpu.memory_space<vmem_shared>>
      tpu.enqueue_dma source(%arg10 : memref<80x80xf32, #tpu.memory_space<vmem>>) target(%dma_start3A_38 : memref<80x80xf32, #tpu.memory_space<vmem_shared>>) target_semaphore(%run_scoped3A : memref<!tpu.dma_semaphore, #tpu.memory_space<semaphore_mem>>)
      %dma_wait3A = arith.constant 0 : i32
      %dma_wait3A_39 = tpu.memref_slice %arg15[%add3A_24, %dma_wait3A] : memref<10240x80xf32, #tpu.memory_space<vmem_shared>> -> memref<80x80xf32, #tpu.memory_space<vmem_shared>>
      %dma_wait3A_40 = arith.constant 0 : i32
      %dma_wait3A_41 = tpu.memref_slice %arg15[%add3A_24, %dma_wait3A_40] : memref<10240x80xf32, #tpu.memory_space<vmem_shared>> -> memref<80x80xf32, #tpu.memory_space<vmem_shared>>
      tpu.wait_dma2 semaphore(%run_scoped3A : memref<!tpu.dma_semaphore, #tpu.memory_space<semaphore_mem>>) src(%arg10 : memref<80x80xf32, #tpu.memory_space<vmem>>) dst(%dma_wait3A_41 : memref<80x80xf32, #tpu.memory_space<vmem_shared>>)
      tpu.yield
    }) : () -> ()
    %add3A_25 = arith.constant 480 : i32
    %add3A_26 = arith.addi %mul3A_12, %add3A_25 : i32
    "tpu.region"() ({
      %run_scoped3A = tpu.sem_alloc : memref<!tpu.dma_semaphore, #tpu.memory_space<semaphore_mem>>
      %dma_start3A = arith.constant 0 : i32
      %dma_start3A_36 = tpu.memref_slice %arg15[%add3A_26, %dma_start3A] : memref<10240x80xf32, #tpu.memory_space<vmem_shared>> -> memref<80x80xf32, #tpu.memory_space<vmem_shared>>
      %dma_start3A_37 = arith.constant 0 : i32
      %dma_start3A_38 = tpu.memref_slice %arg15[%add3A_26, %dma_start3A_37] : memref<10240x80xf32, #tpu.memory_space<vmem_shared>> -> memref<80x80xf32, #tpu.memory_space<vmem_shared>>
      tpu.enqueue_dma source(%arg10 : memref<80x80xf32, #tpu.memory_space<vmem>>) target(%dma_start3A_38 : memref<80x80xf32, #tpu.memory_space<vmem_shared>>) target_semaphore(%run_scoped3A : memref<!tpu.dma_semaphore, #tpu.memory_space<semaphore_mem>>)
      %dma_wait3A = arith.constant 0 : i32
      %dma_wait3A_39 = tpu.memref_slice %arg15[%add3A_26, %dma_wait3A] : memref<10240x80xf32, #tpu.memory_space<vmem_shared>> -> memref<80x80xf32, #tpu.memory_space<vmem_shared>>
      %dma_wait3A_40 = arith.constant 0 : i32
      %dma_wait3A_41 = tpu.memref_slice %arg15[%add3A_26, %dma_wait3A_40] : memref<10240x80xf32, #tpu.memory_space<vmem_shared>> -> memref<80x80xf32, #tpu.memory_space<vmem_shared>>
      tpu.wait_dma2 semaphore(%run_scoped3A : memref<!tpu.dma_semaphore, #tpu.memory_space<semaphore_mem>>) src(%arg10 : memref<80x80xf32, #tpu.memory_space<vmem>>) dst(%dma_wait3A_41 : memref<80x80xf32, #tpu.memory_space<vmem_shared>>)
      tpu.yield
    }) : () -> ()
    %add3A_27 = arith.constant 560 : i32
    %add3A_28 = arith.addi %mul3A_12, %add3A_27 : i32
    "tpu.region"() ({
      %run_scoped3A = tpu.sem_alloc : memref<!tpu.dma_semaphore, #tpu.memory_space<semaphore_mem>>
      %dma_start3A = arith.constant 0 : i32
      %dma_start3A_36 = tpu.memref_slice %arg15[%add3A_28, %dma_start3A] : memref<10240x80xf32, #tpu.memory_space<vmem_shared>> -> memref<80x80xf32, #tpu.memory_space<vmem_shared>>
      %dma_start3A_37 = arith.constant 0 : i32
      %dma_start3A_38 = tpu.memref_slice %arg15[%add3A_28, %dma_start3A_37] : memref<10240x80xf32, #tpu.memory_space<vmem_shared>> -> memref<80x80xf32, #tpu.memory_space<vmem_shared>>
      tpu.enqueue_dma source(%arg10 : memref<80x80xf32, #tpu.memory_space<vmem>>) target(%dma_start3A_38 : memref<80x80xf32, #tpu.memory_space<vmem_shared>>) target_semaphore(%run_scoped3A : memref<!tpu.dma_semaphore, #tpu.memory_space<semaphore_mem>>)
      %dma_wait3A = arith.constant 0 : i32
      %dma_wait3A_39 = tpu.memref_slice %arg15[%add3A_28, %dma_wait3A] : memref<10240x80xf32, #tpu.memory_space<vmem_shared>> -> memref<80x80xf32, #tpu.memory_space<vmem_shared>>
      %dma_wait3A_40 = arith.constant 0 : i32
      %dma_wait3A_41 = tpu.memref_slice %arg15[%add3A_28, %dma_wait3A_40] : memref<10240x80xf32, #tpu.memory_space<vmem_shared>> -> memref<80x80xf32, #tpu.memory_space<vmem_shared>>
      tpu.wait_dma2 semaphore(%run_scoped3A : memref<!tpu.dma_semaphore, #tpu.memory_space<semaphore_mem>>) src(%arg10 : memref<80x80xf32, #tpu.memory_space<vmem>>) dst(%dma_wait3A_41 : memref<80x80xf32, #tpu.memory_space<vmem_shared>>)
      tpu.yield
    }) : () -> ()
    %barrier3A = arith.constant 0 : index
    tpu.barrier barrier_id(%barrier3A)
    %scan3A_29 = arith.constant 0 : i32
    %scan3A_30 = arith.constant 0 : i32
    %scan3A_31 = arith.constant 125 : i32
    %scan3A_32 = arith.addi %scan3A_30, %scan3A_31 : i32
    %scan3A_33 = arith.constant 1 : i32
    scf.for %scan3A_36 = %scan3A_30 to %scan3A_32 step %scan3A_33  : i32 {
      %mul3A_37 = arith.constant 10000 : i32
      %mul3A_38 = arith.muli %add3A, %mul3A_37 : i32
      %mul3A_39 = arith.constant 80 : i32
      %mul3A_40 = arith.muli %scan3A_36, %mul3A_39 : i32
      %add3A_41 = arith.addi %mul3A_38, %mul3A_40 : i32
      "tpu.region"() ({
        %run_scoped3A = tpu.sem_alloc : memref<!tpu.dma_semaphore, #tpu.memory_space<semaphore_mem>>
        %dma_start3A_58 = tpu.memref_slice %arg2[%add3A_41] : memref<320000xi32, #tpu.memory_space<hbm>> -> memref<80xi32, #tpu.memory_space<hbm>>
        %dma_start3A_59 = tpu.memref_slice %arg2[%add3A_41] : memref<320000xi32, #tpu.memory_space<hbm>> -> memref<80xi32, #tpu.memory_space<hbm>>
        tpu.enqueue_dma source(%dma_start3A_59 : memref<80xi32, #tpu.memory_space<hbm>>) target(%arg11 : memref<80xi32, #tpu.memory_space<vmem>>) target_semaphore(%run_scoped3A : memref<!tpu.dma_semaphore, #tpu.memory_space<semaphore_mem>>)
        %dma_wait3A_60 = tpu.memref_slice %arg2[%add3A_41] : memref<320000xi32, #tpu.memory_space<hbm>> -> memref<80xi32, #tpu.memory_space<hbm>>
        %dma_wait3A_61 = tpu.memref_slice %arg2[%add3A_41] : memref<320000xi32, #tpu.memory_space<hbm>> -> memref<80xi32, #tpu.memory_space<hbm>>
        tpu.wait_dma2 semaphore(%run_scoped3A : memref<!tpu.dma_semaphore, #tpu.memory_space<semaphore_mem>>) src(%dma_wait3A_61 : memref<80xi32, #tpu.memory_space<hbm>>) dst(%arg11 : memref<80xi32, #tpu.memory_space<vmem>>)
        tpu.yield
      }) : () -> ()
      "tpu.region"() ({
        %run_scoped3A = tpu.sem_alloc : memref<!tpu.dma_semaphore, #tpu.memory_space<semaphore_mem>>
        %dma_start3A_58 = tpu.memref_slice %arg3[%add3A_41] : memref<320000xi32, #tpu.memory_space<hbm>> -> memref<80xi32, #tpu.memory_space<hbm>>
        %dma_start3A_59 = tpu.memref_slice %arg3[%add3A_41] : memref<320000xi32, #tpu.memory_space<hbm>> -> memref<80xi32, #tpu.memory_space<hbm>>
        tpu.enqueue_dma source(%dma_start3A_59 : memref<80xi32, #tpu.memory_space<hbm>>) target(%arg12 : memref<80xi32, #tpu.memory_space<vmem>>) target_semaphore(%run_scoped3A : memref<!tpu.dma_semaphore, #tpu.memory_space<semaphore_mem>>)
        %dma_wait3A_60 = tpu.memref_slice %arg3[%add3A_41] : memref<320000xi32, #tpu.memory_space<hbm>> -> memref<80xi32, #tpu.memory_space<hbm>>
        %dma_wait3A_61 = tpu.memref_slice %arg3[%add3A_41] : memref<320000xi32, #tpu.memory_space<hbm>> -> memref<80xi32, #tpu.memory_space<hbm>>
        tpu.wait_dma2 semaphore(%run_scoped3A : memref<!tpu.dma_semaphore, #tpu.memory_space<semaphore_mem>>) src(%dma_wait3A_61 : memref<80xi32, #tpu.memory_space<hbm>>) dst(%arg12 : memref<80xi32, #tpu.memory_space<vmem>>)
        tpu.yield
      }) : () -> ()
      %dma_start3A = arith.constant 0 : i32
      %dma_start3A_42 = arith.constant 0 : i32
      %dma_start3A_43 = tpu.memref_slice %arg4[%dma_start3A, %dma_start3A_42] : memref<10000x64xf32, #tpu.memory_space<hbm>> -> memref<10000x64xf32, #tpu.memory_space<hbm>>
      tpu.enqueue_indirect_dma source(%dma_start3A_43 : memref<10000x64xf32, #tpu.memory_space<hbm>>) target(%arg9 : memref<80x64xf32, #tpu.memory_space<vmem>>) offsets(%arg11 : memref<80xi32, #tpu.memory_space<vmem>>) semaphore(%arg16 : memref<!tpu.dma_semaphore, #tpu.memory_space<semaphore_mem>>)
      %dma_wait3A = arith.constant 0 : i32
      %dma_wait3A_44 = arith.constant 0 : i32
      %dma_wait3A_45 = tpu.memref_slice %arg4[%dma_wait3A, %dma_wait3A_44] : memref<10000x64xf32, #tpu.memory_space<hbm>> -> memref<10000x64xf32, #tpu.memory_space<hbm>>
      tpu.wait_indirect_dma semaphore(%arg16 : memref<!tpu.dma_semaphore, #tpu.memory_space<semaphore_mem>>) src(%dma_wait3A_45 : memref<10000x64xf32, #tpu.memory_space<hbm>>) dst(%arg9 : memref<80x64xf32, #tpu.memory_space<vmem>>)
      %scan3A_46 = arith.constant 0 : i32
      %scan3A_47 = arith.constant 0 : i32
      %scan3A_48 = arith.constant 5 : i32
      %scan3A_49 = arith.addi %scan3A_47, %scan3A_48 : i32
      %scan3A_50 = arith.constant 1 : i32
      scf.for %scan3A_58 = %scan3A_47 to %scan3A_49 step %scan3A_50  : i32 {
        %mul3A_59 = arith.constant 16 : i32
        %mul3A_60 = arith.muli %scan3A_58, %mul3A_59 : i32
        %get3A_61 = arith.index_cast %mul3A_60 : i32 to index
        %get3A_62 = tpu.vector_load %arg11[%get3A_61] {strides = array<i32>} : memref<80xi32, #tpu.memory_space<vmem>>, vector<16xi32>,
        %mul3A_63 = arith.constant 16 : i32
        %mul3A_64 = arith.muli %scan3A_58, %mul3A_63 : i32
        %get3A_65 = arith.index_cast %mul3A_64 : i32 to index
        %get3A_66 = tpu.vector_load %arg12[%get3A_65] {strides = array<i32>} : memref<80xi32, #tpu.memory_space<vmem>>, vector<16xi32>,
        %mul3A_67 = arith.constant 2 : i32
        %mul3A_68 = vector.broadcast %mul3A_67 : i32 to vector<16xi32>
        %mul3A_69 = arith.muli %get3A_62, %mul3A_68 : vector<16xi32>
        %gather3A = tpu.vector_load_idx %arg8[%mul3A_69] : memref<20000xf32, #tpu.memory_space<vmem>>[vector<16xi32>], vector<16xf32>,
        %mul3A_70 = arith.constant 2 : i32
        %mul3A_71 = vector.broadcast %mul3A_70 : i32 to vector<16xi32>
        %mul3A_72 = arith.muli %get3A_66, %mul3A_71 : vector<16xi32>
        %add3A_73 = arith.constant 1 : i32
        %add3A_74 = vector.broadcast %add3A_73 : i32 to vector<16xi32>
        %add3A_75 = arith.addi %mul3A_72, %add3A_74 : vector<16xi32>
        %gather3A_76 = tpu.vector_load_idx %arg8[%add3A_75] : memref<20000xf32, #tpu.memory_space<vmem>>[vector<16xi32>], vector<16xf32>,
        %add3A_77 = arith.addf %gather3A, %gather3A_76 : vector<16xf32>
        %gt3A = arith.constant 0.000000e+00 : f32
        %gt3A_78 = vector.broadcast %gt3A : f32 to vector<16xf32>
        %gt3A_79 = arith.cmpf ogt, %add3A_77, %gt3A_78 : vector<16xf32>
        %mul3A_80 = arith.constant 2.000000e-01 : f32
        %mul3A_81 = vector.broadcast %mul3A_80 : f32 to vector<16xf32>
        %mul3A_82 = arith.mulf %mul3A_81, %add3A_77 : vector<16xf32>
        %select_n3A_83 = arith.select %gt3A_79, %add3A_77, %mul3A_82 : vector<16xi1>, vector<16xf32>
        %sub3A = arith.subf %select_n3A_83, %get3A_5 : vector<16xf32>
        %exp3A = math.exp %sub3A : vector<16xf32>
        %mul3A_84 = arith.constant 16 : i32
        %mul3A_85 = arith.muli %scan3A_58, %mul3A_84 : i32
        %swap3A = arith.index_cast %mul3A_85 : i32 to index
        %swap3A_86 = tpu.vector_load %arg13[%swap3A] {strides = array<i32>} : memref<80xf32, #tpu.memory_space<vmem>>, vector<16xf32>,
        tpu.vector_store %arg13[%swap3A], %exp3A {strides = array<i32>} : memref<80xf32, #tpu.memory_space<vmem>>, vector<16xf32>,
      }
      %scan3A_51 = arith.constant 5 : i32
      %scan3A_52 = arith.constant 0 : i32
      %scan3A_53 = arith.constant 0 : i32
      %scan3A_54 = arith.constant 80 : i32
      %scan3A_55 = arith.addi %scan3A_53, %scan3A_54 : i32
      %scan3A_56 = arith.constant 1 : i32
      scf.for %scan3A_58 = %scan3A_53 to %scan3A_55 step %scan3A_56  : i32 {
        %broadcast_in_dim3A_59 = vector.broadcast %scan3A_58 : i32 to vector<16xi32>
        %gather3A = tpu.vector_load_idx %arg13[%broadcast_in_dim3A_59] : memref<80xf32, #tpu.memory_space<vmem>>[vector<16xi32>], vector<16xf32>,
        %get3A_60 = arith.index_cast %scan3A_58 : i32 to index
        %get3A_61 = arith.constant 0 : index
        %get3A_62 = tpu.vector_load %arg9[%get3A_60, %get3A_61] {strides = array<i32>} : memref<80x64xf32, #tpu.memory_space<vmem>>, vector<16xf32>,
        %mul3A_63 = arith.mulf %get3A_62, %gather3A : vector<16xf32>
        %swap3A = arith.index_cast %scan3A_58 : i32 to index
        %swap3A_64 = arith.constant 0 : index
        %swap3A_65 = tpu.vector_load %arg10[%swap3A, %swap3A_64] {strides = array<i32>} : memref<80x80xf32, #tpu.memory_space<vmem>>, vector<16xf32>,
        tpu.vector_store %arg10[%swap3A, %swap3A_64], %mul3A_63 {strides = array<i32>} : memref<80x80xf32, #tpu.memory_space<vmem>>, vector<16xf32>,
        %get3A_66 = arith.index_cast %scan3A_58 : i32 to index
        %get3A_67 = arith.constant 16 : index
        %get3A_68 = tpu.vector_load %arg9[%get3A_66, %get3A_67] {strides = array<i32>} : memref<80x64xf32, #tpu.memory_space<vmem>>, vector<16xf32>,
        %mul3A_69 = arith.mulf %get3A_68, %gather3A : vector<16xf32>
        %swap3A_70 = arith.index_cast %scan3A_58 : i32 to index
        %swap3A_71 = arith.constant 16 : index
        %swap3A_72 = tpu.vector_load %arg10[%swap3A_70, %swap3A_71] {strides = array<i32>} : memref<80x80xf32, #tpu.memory_space<vmem>>, vector<16xf32>,
        tpu.vector_store %arg10[%swap3A_70, %swap3A_71], %mul3A_69 {strides = array<i32>} : memref<80x80xf32, #tpu.memory_space<vmem>>, vector<16xf32>,
        %get3A_73 = arith.index_cast %scan3A_58 : i32 to index
        %get3A_74 = arith.constant 32 : index
        %get3A_75 = tpu.vector_load %arg9[%get3A_73, %get3A_74] {strides = array<i32>} : memref<80x64xf32, #tpu.memory_space<vmem>>, vector<16xf32>,
        %mul3A_76 = arith.mulf %get3A_75, %gather3A : vector<16xf32>
        %swap3A_77 = arith.index_cast %scan3A_58 : i32 to index
        %swap3A_78 = arith.constant 32 : index
        %swap3A_79 = tpu.vector_load %arg10[%swap3A_77, %swap3A_78] {strides = array<i32>} : memref<80x80xf32, #tpu.memory_space<vmem>>, vector<16xf32>,
        tpu.vector_store %arg10[%swap3A_77, %swap3A_78], %mul3A_76 {strides = array<i32>} : memref<80x80xf32, #tpu.memory_space<vmem>>, vector<16xf32>,
        %get3A_80 = arith.index_cast %scan3A_58 : i32 to index
        %get3A_81 = arith.constant 48 : index
        %get3A_82 = tpu.vector_load %arg9[%get3A_80, %get3A_81] {strides = array<i32>} : memref<80x64xf32, #tpu.memory_space<vmem>>, vector<16xf32>,
        %mul3A_83 = arith.mulf %get3A_82, %gather3A : vector<16xf32>
        %swap3A_84 = arith.index_cast %scan3A_58 : i32 to index
        %swap3A_85 = arith.constant 48 : index
        %swap3A_86 = tpu.vector_load %arg10[%swap3A_84, %swap3A_85] {strides = array<i32>} : memref<80x80xf32, #tpu.memory_space<vmem>>, vector<16xf32>,
        tpu.vector_store %arg10[%swap3A_84, %swap3A_85], %mul3A_83 {strides = array<i32>} : memref<80x80xf32, #tpu.memory_space<vmem>>, vector<16xf32>,
        %mul3A_87 = arith.mulf %gather3A, %select_n3A : vector<16xf32>
        %swap3A_88 = arith.index_cast %scan3A_58 : i32 to index
        %swap3A_89 = arith.constant 64 : index
        %swap3A_90 = tpu.vector_load %arg10[%swap3A_88, %swap3A_89] {strides = array<i32>} : memref<80x80xf32, #tpu.memory_space<vmem>>, vector<16xf32>,
        tpu.vector_store %arg10[%swap3A_88, %swap3A_89], %mul3A_87 {strides = array<i32>} : memref<80x80xf32, #tpu.memory_space<vmem>>, vector<16xf32>,
      }
      %scan3A_57 = arith.constant 80 : i32
      "tpu.region"() ({
        %run_scoped3A = tpu.sem_alloc : memref<!tpu.dma_semaphore, #tpu.memory_space<semaphore_mem>>
        %dma_start3A_58 = arith.constant 0 : i32
        %dma_start3A_59 = arith.constant 0 : i32
        %dma_start3A_60 = tpu.memref_slice %arg15[%dma_start3A_58, %dma_start3A_59] : memref<10240x80xf32, #tpu.memory_space<vmem_shared>> -> memref<10240x80xf32, #tpu.memory_space<vmem_shared>>
        tpu.enqueue_indirect_dma source(%arg10 : memref<80x80xf32, #tpu.memory_space<vmem>>) target(%dma_start3A_60 : memref<10240x80xf32, #tpu.memory_space<vmem_shared>>) offsets(%arg12 : memref<80xi32, #tpu.memory_space<vmem>>) semaphore(%run_scoped3A : memref<!tpu.dma_semaphore, #tpu.memory_space<semaphore_mem>>) {add = true}
        %dma_wait3A_61 = arith.constant 0 : i32
        %dma_wait3A_62 = arith.constant 0 : i32
        %dma_wait3A_63 = tpu.memref_slice %arg15[%dma_wait3A_61, %dma_wait3A_62] : memref<10240x80xf32, #tpu.memory_space<vmem_shared>> -> memref<10240x80xf32, #tpu.memory_space<vmem_shared>>
        tpu.wait_indirect_dma semaphore(%run_scoped3A : memref<!tpu.dma_semaphore, #tpu.memory_space<semaphore_mem>>) src(%arg10 : memref<80x80xf32, #tpu.memory_space<vmem>>) dst(%dma_wait3A_63 : memref<10240x80xf32, #tpu.memory_space<vmem_shared>>)
        tpu.yield
      }) : () -> ()
    }
    %scan3A_34 = arith.constant 125 : i32
    %barrier3A_35 = arith.constant 0 : index
    tpu.barrier barrier_id(%barrier3A_35)
    "tpu.region"() ({
      %run_scoped3A = tpu.sem_alloc : memref<!tpu.dma_semaphore, #tpu.memory_space<semaphore_mem>>
      %dma_start3A = arith.constant 0 : i32
      %dma_start3A_36 = tpu.memref_slice %arg7[%arg0, %mul3A_12, %dma_start3A] : memref<2x10240x80xf32, #tpu.memory_space<hbm>> -> memref<1x640x80xf32, #tpu.memory_space<hbm>>
      %dma_start3A_37 = tpu.memref_squeeze %dma_start3A_36 : memref<1x640x80xf32, #tpu.memory_space<hbm>> -> memref<640x80xf32, #tpu.memory_space<hbm>>
      %dma_start3A_38 = arith.constant 0 : i32
      %dma_start3A_39 = tpu.memref_slice %arg15[%mul3A_12, %dma_start3A_38] : memref<10240x80xf32, #tpu.memory_space<vmem_shared>> -> memref<640x80xf32, #tpu.memory_space<vmem_shared>>
      tpu.enqueue_dma source(%dma_start3A_39 : memref<640x80xf32, #tpu.memory_space<vmem_shared>>) target(%dma_start3A_37 : memref<640x80xf32, #tpu.memory_space<hbm>>) target_semaphore(%run_scoped3A : memref<!tpu.dma_semaphore, #tpu.memory_space<semaphore_mem>>)
      %dma_wait3A = arith.constant 0 : i32
      %dma_wait3A_40 = tpu.memref_slice %arg7[%arg0, %mul3A_12, %dma_wait3A] : memref<2x10240x80xf32, #tpu.memory_space<hbm>> -> memref<1x640x80xf32, #tpu.memory_space<hbm>>
      %dma_wait3A_41 = tpu.memref_squeeze %dma_wait3A_40 : memref<1x640x80xf32, #tpu.memory_space<hbm>> -> memref<640x80xf32, #tpu.memory_space<hbm>>
      %dma_wait3A_42 = arith.constant 0 : i32
      %dma_wait3A_43 = tpu.memref_slice %arg15[%mul3A_12, %dma_wait3A_42] : memref<10240x80xf32, #tpu.memory_space<vmem_shared>> -> memref<640x80xf32, #tpu.memory_space<vmem_shared>>
      tpu.wait_dma2 semaphore(%run_scoped3A : memref<!tpu.dma_semaphore, #tpu.memory_space<semaphore_mem>>) src(%dma_wait3A_43 : memref<640x80xf32, #tpu.memory_space<vmem_shared>>) dst(%dma_wait3A_41 : memref<640x80xf32, #tpu.memory_space<hbm>>)
      tpu.yield
    }) : () -> ()
    return
  }
}

module attributes {stable_mosaic.version = 14 : i64} {
  func.func @_prologue_body(%arg0: i32, %arg1: memref<1000x128xf32, #tpu.memory_space<vmem>>, %arg2: memref<1000x128xf32, #tpu.memory_space<vmem>>, %arg3: memref<128x64xf32, #tpu.memory_space<vmem>>, %arg4: memref<128x64xf32, #tpu.memory_space<vmem>>, %arg5: memref<1x64xf32, #tpu.memory_space<vmem>>, %arg6: memref<1x64xf32, #tpu.memory_space<vmem>>, %arg7: memref<64x8xf32, #tpu.memory_space<vmem>>, %arg8: memref<64x8xf32, #tpu.memory_space<vmem>>, %arg9: memref<1000x64xf32, #tpu.memory_space<vmem>>, %arg10: memref<1000x64xf32, #tpu.memory_space<vmem>>, %arg11: memref<1000x8xf32, #tpu.memory_space<vmem>>, %arg12: memref<2x16xf32, #tpu.memory_space<vmem>>, %arg13: memref<1x8xf32, #tpu.memory_space<vmem>>) attributes {dimension_semantics = [#tpu.dimension_semantics<arbitrary>], iteration_bounds = array<i64: 10>, scalar_prefetch = 0 : i64, scratch_operands = 1 : i64, tpu.core_type = #tpu.core_type<tc>, window_params = [{transform_indices = @transform_0, window_bounds = array<i64: 1000, 128>}, {transform_indices = @transform_1, window_bounds = array<i64: 1000, 128>}, {pipeline_mode = #tpu.pipeline_mode<synchronous>, transform_indices = @transform_2, window_bounds = array<i64: 128, 64>}, {pipeline_mode = #tpu.pipeline_mode<synchronous>, transform_indices = @transform_3, window_bounds = array<i64: 128, 64>}, {pipeline_mode = #tpu.pipeline_mode<synchronous>, transform_indices = @transform_4, window_bounds = array<i64: 1, 64>}, {pipeline_mode = #tpu.pipeline_mode<synchronous>, transform_indices = @transform_5, window_bounds = array<i64: 1, 64>}, {pipeline_mode = #tpu.pipeline_mode<synchronous>, transform_indices = @transform_6, window_bounds = array<i64: 64, 8>}, {pipeline_mode = #tpu.pipeline_mode<synchronous>, transform_indices = @transform_7, window_bounds = array<i64: 64, 8>}, {transform_indices = @transform_8, window_bounds = array<i64: 1000, 64>}, {transform_indices = @transform_9, window_bounds = array<i64: 1000, 64>}, {transform_indices = @transform_10, window_bounds = array<i64: 1000, 8>}, {pipeline_mode = #tpu.pipeline_mode<synchronous>, transform_indices = @transform_11, window_bounds = array<i64: 2, 16>}]} {
    %get3A = arith.constant 0 : index
    %get3A_0 = arith.constant 0 : index
    %get3A_1 = vector.load %arg1[%get3A, %get3A_0] : memref<1000x128xf32, #tpu.memory_space<vmem>>, vector<1000x128xf32>
    %get3A_2 = arith.constant 0 : index
    %get3A_3 = arith.constant 0 : index
    %get3A_4 = vector.load %arg3[%get3A_2, %get3A_3] : memref<128x64xf32, #tpu.memory_space<vmem>>, vector<128x64xf32>
    %dot_general3A = arith.constant dense<0.000000e+00> : vector<1000x64xf32>
    %dot_general3A_5 = tpu.matmul %get3A_1, %get3A_4, %dot_general3A {dimension_numbers = #tpu.dot_dimension_numbers<[1], [0], [0], [1], [0, 0, 1, 1], [], []>, transpose_lhs_hint = false} : vector<1000x128xf32>, vector<128x64xf32>, vector<1000x64xf32> -> vector<1000x64xf32>
    %get3A_6 = arith.constant 0 : index
    %get3A_7 = arith.constant 0 : index
    %get3A_8 = vector.load %arg5[%get3A_6, %get3A_7] : memref<1x64xf32, #tpu.memory_space<vmem>>, vector<1x64xf32>
    %add3A = vector.broadcast %get3A_8 : vector<1x64xf32> to vector<1000x64xf32>
    %add3A_9 = arith.addf %dot_general3A_5, %add3A : vector<1000x64xf32>
    %get3A_10 = arith.constant 0 : index
    %get3A_11 = arith.constant 0 : index
    %get3A_12 = vector.load %arg2[%get3A_10, %get3A_11] : memref<1000x128xf32, #tpu.memory_space<vmem>>, vector<1000x128xf32>
    %get3A_13 = arith.constant 0 : index
    %get3A_14 = arith.constant 0 : index
    %get3A_15 = vector.load %arg4[%get3A_13, %get3A_14] : memref<128x64xf32, #tpu.memory_space<vmem>>, vector<128x64xf32>
    %dot_general3A_16 = arith.constant dense<0.000000e+00> : vector<1000x64xf32>
    %dot_general3A_17 = tpu.matmul %get3A_12, %get3A_15, %dot_general3A_16 {dimension_numbers = #tpu.dot_dimension_numbers<[1], [0], [0], [1], [0, 0, 1, 1], [], []>, transpose_lhs_hint = false} : vector<1000x128xf32>, vector<128x64xf32>, vector<1000x64xf32> -> vector<1000x64xf32>
    %get3A_18 = arith.constant 0 : index
    %get3A_19 = arith.constant 0 : index
    %get3A_20 = vector.load %arg6[%get3A_18, %get3A_19] : memref<1x64xf32, #tpu.memory_space<vmem>>, vector<1x64xf32>
    %add3A_21 = vector.broadcast %get3A_20 : vector<1x64xf32> to vector<1000x64xf32>
    %add3A_22 = arith.addf %dot_general3A_17, %add3A_21 : vector<1000x64xf32>
    %swap3A = arith.constant 0 : index
    %swap3A_23 = arith.constant 0 : index
    %swap3A_24 = vector.load %arg9[%swap3A, %swap3A_23] : memref<1000x64xf32, #tpu.memory_space<vmem>>, vector<1000x64xf32>
    tpu.vector_store %arg9[%swap3A, %swap3A_23], %add3A_9 {strides = array<i32>} : memref<1000x64xf32, #tpu.memory_space<vmem>>, vector<1000x64xf32>,
    %swap3A_25 = arith.constant 0 : index
    %swap3A_26 = arith.constant 0 : index
    %swap3A_27 = vector.load %arg10[%swap3A_25, %swap3A_26] : memref<1000x64xf32, #tpu.memory_space<vmem>>, vector<1000x64xf32>
    tpu.vector_store %arg10[%swap3A_25, %swap3A_26], %add3A_22 {strides = array<i32>} : memref<1000x64xf32, #tpu.memory_space<vmem>>, vector<1000x64xf32>,
    %get3A_28 = arith.constant 0 : index
    %get3A_29 = arith.constant 0 : index
    %get3A_30 = vector.load %arg8[%get3A_28, %get3A_29] : memref<64x8xf32, #tpu.memory_space<vmem>>, vector<64x8xf32>
    %dot_general3A_31 = arith.constant dense<0.000000e+00> : vector<1000x8xf32>
    %dot_general3A_32 = tpu.matmul %add3A_22, %get3A_30, %dot_general3A_31 {dimension_numbers = #tpu.dot_dimension_numbers<[1], [0], [0], [1], [0, 0, 1, 1], [], []>, transpose_lhs_hint = false} : vector<1000x64xf32>, vector<64x8xf32>, vector<1000x8xf32> -> vector<1000x8xf32>
    %get3A_33 = arith.constant 0 : index
    %get3A_34 = arith.constant 0 : index
    %get3A_35 = vector.load %arg7[%get3A_33, %get3A_34] : memref<64x8xf32, #tpu.memory_space<vmem>>, vector<64x8xf32>
    %dot_general3A_36 = arith.constant dense<0.000000e+00> : vector<1000x8xf32>
    %dot_general3A_37 = tpu.matmul %add3A_9, %get3A_35, %dot_general3A_36 {dimension_numbers = #tpu.dot_dimension_numbers<[1], [0], [0], [1], [0, 0, 1, 1], [], []>, transpose_lhs_hint = false} : vector<1000x64xf32>, vector<64x8xf32>, vector<1000x8xf32> -> vector<1000x8xf32>
    %add3A_38 = arith.addf %dot_general3A_32, %dot_general3A_37 : vector<1000x8xf32>
    %swap3A_39 = arith.constant 0 : index
    %swap3A_40 = arith.constant 0 : index
    %swap3A_41 = vector.load %arg11[%swap3A_39, %swap3A_40] : memref<1000x8xf32, #tpu.memory_space<vmem>>, vector<1000x8xf32>
    tpu.vector_store %arg11[%swap3A_39, %swap3A_40], %add3A_38 {strides = array<i32>} : memref<1000x8xf32, #tpu.memory_space<vmem>>, vector<1000x8xf32>,
    %reduce_max3A = arith.constant dense<0xFF800000> : vector<8xf32>
    %reduce_max3A_42 = vector.multi_reduction <maximumf>, %add3A_38, %reduce_max3A [0] : vector<1000x8xf32> to vector<8xf32>
    %broadcast_in_dim3A = vector.shape_cast %reduce_max3A_42 : vector<8xf32> to vector<1x8xf32>
    %eq3A = arith.constant 0 : i32
    %eq3A_43 = arith.cmpi eq, %arg0, %eq3A : i32
    %convert_element_type3A = arith.extui %eq3A_43 : i1 to i32
    %cond3A = arith.constant 0 : i32
    %cond3A_44 = arith.cmpi ne, %convert_element_type3A, %cond3A : i32
    scf.if %cond3A_44 {
      %swap3A_54 = arith.constant 0 : index
      %swap3A_55 = arith.constant 0 : index
      %swap3A_56 = vector.load %arg13[%swap3A_54, %swap3A_55] : memref<1x8xf32, #tpu.memory_space<vmem>>, vector<1x8xf32>
      tpu.vector_store %arg13[%swap3A_54, %swap3A_55], %broadcast_in_dim3A {strides = array<i32>} : memref<1x8xf32, #tpu.memory_space<vmem>>, vector<1x8xf32>,
    } else {
    }
    %gt3A = arith.constant 0 : i32
    %gt3A_45 = arith.cmpi sgt, %arg0, %gt3A : i32
    %convert_element_type3A_46 = arith.extui %gt3A_45 : i1 to i32
    %cond3A_47 = arith.constant 0 : i32
    %cond3A_48 = arith.cmpi ne, %convert_element_type3A_46, %cond3A_47 : i32
    scf.if %cond3A_48 {
      %get3A_54 = arith.constant 0 : index
      %get3A_55 = arith.constant 0 : index
      %get3A_56 = vector.load %arg13[%get3A_54, %get3A_55] : memref<1x8xf32, #tpu.memory_space<vmem>>, vector<1x8xf32>
      %max3A = arith.maximumf %get3A_56, %broadcast_in_dim3A : vector<1x8xf32>
      %swap3A_57 = arith.constant 0 : index
      %swap3A_58 = arith.constant 0 : index
      %swap3A_59 = vector.load %arg13[%swap3A_57, %swap3A_58] : memref<1x8xf32, #tpu.memory_space<vmem>>, vector<1x8xf32>
      tpu.vector_store %arg13[%swap3A_57, %swap3A_58], %max3A {strides = array<i32>} : memref<1x8xf32, #tpu.memory_space<vmem>>, vector<1x8xf32>,
    } else {
    }
    %eq3A_49 = arith.constant 9 : i32
    %eq3A_50 = arith.cmpi eq, %arg0, %eq3A_49 : i32
    %convert_element_type3A_51 = arith.extui %eq3A_50 : i1 to i32
    %cond3A_52 = arith.constant 0 : i32
    %cond3A_53 = arith.cmpi ne, %convert_element_type3A_51, %cond3A_52 : i32
    scf.if %cond3A_53 {
      %get3A_54 = arith.constant 0 : index
      %get3A_55 = arith.constant 0 : index
      %get3A_56 = vector.load %arg13[%get3A_54, %get3A_55] : memref<1x8xf32, #tpu.memory_space<vmem>>, vector<1x8xf32>
      %slice3A = vector.extract_strided_slice %get3A_56 {offsets = [0, 0], sizes = [1, 1], strides = [1, 1]} : vector<1x8xf32> to vector<1x1xf32>
      %slice3A_57 = vector.extract_strided_slice %get3A_56 {offsets = [0, 1], sizes = [1, 1], strides = [1, 1]} : vector<1x8xf32> to vector<1x1xf32>
      %add3A_58 = arith.addf %slice3A, %slice3A_57 : vector<1x1xf32>
      %slice3A_59 = vector.extract_strided_slice %get3A_56 {offsets = [0, 2], sizes = [1, 1], strides = [1, 1]} : vector<1x8xf32> to vector<1x1xf32>
      %slice3A_60 = vector.extract_strided_slice %get3A_56 {offsets = [0, 3], sizes = [1, 1], strides = [1, 1]} : vector<1x8xf32> to vector<1x1xf32>
      %add3A_61 = arith.addf %slice3A_59, %slice3A_60 : vector<1x1xf32>
      %gt3A_62 = arith.constant 0.000000e+00 : f32
      %gt3A_63 = vector.broadcast %gt3A_62 : f32 to vector<1x1xf32>
      %gt3A_64 = arith.cmpf ogt, %add3A_58, %gt3A_63 : vector<1x1xf32>
      %mul3A = arith.constant 2.000000e-01 : f32
      %mul3A_65 = vector.broadcast %mul3A : f32 to vector<1x1xf32>
      %mul3A_66 = arith.mulf %mul3A_65, %add3A_58 : vector<1x1xf32>
      %select_n3A = arith.select %gt3A_64, %add3A_58, %mul3A_66 : vector<1x1xi1>, vector<1x1xf32>
      %gt3A_67 = arith.constant 0.000000e+00 : f32
      %gt3A_68 = vector.broadcast %gt3A_67 : f32 to vector<1x1xf32>
      %gt3A_69 = arith.cmpf ogt, %add3A_61, %gt3A_68 : vector<1x1xf32>
      %mul3A_70 = arith.constant 2.000000e-01 : f32
      %mul3A_71 = vector.broadcast %mul3A_70 : f32 to vector<1x1xf32>
      %mul3A_72 = arith.mulf %mul3A_71, %add3A_61 : vector<1x1xf32>
      %select_n3A_73 = arith.select %gt3A_69, %add3A_61, %mul3A_72 : vector<1x1xi1>, vector<1x1xf32>
      %broadcast_in_dim3A_74 = vector.shape_cast %select_n3A : vector<1x1xf32> to vector<1x1xf32>
      %broadcast_in_dim3A_75 = vector.broadcast %broadcast_in_dim3A_74 : vector<1x1xf32> to vector<1x16xf32>
      %swap3A_76 = arith.constant 0 : index
      %swap3A_77 = arith.constant 0 : index
      %swap3A_78 = vector.load %arg12[%swap3A_76, %swap3A_77] : memref<2x16xf32, #tpu.memory_space<vmem>>, vector<1x16xf32>
      tpu.vector_store %arg12[%swap3A_76, %swap3A_77], %broadcast_in_dim3A_75 {strides = array<i32>} : memref<2x16xf32, #tpu.memory_space<vmem>>, vector<1x16xf32>,
      %broadcast_in_dim3A_79 = vector.shape_cast %select_n3A_73 : vector<1x1xf32> to vector<1x1xf32>
      %broadcast_in_dim3A_80 = vector.broadcast %broadcast_in_dim3A_79 : vector<1x1xf32> to vector<1x16xf32>
      %swap3A_81 = arith.constant 1 : index
      %swap3A_82 = arith.constant 0 : index
      %swap3A_83 = vector.load %arg12[%swap3A_81, %swap3A_82] : memref<2x16xf32, #tpu.memory_space<vmem>>, vector<1x16xf32>
      tpu.vector_store %arg12[%swap3A_81, %swap3A_82], %broadcast_in_dim3A_80 {strides = array<i32>} : memref<2x16xf32, #tpu.memory_space<vmem>>, vector<1x16xf32>,
    } else {
    }
    return
  }
  func.func @transform_0(%arg0: i32) -> (i32, i32) {
    %c0_i32 = arith.constant 0 : i32
    %c0_i32_0 = arith.constant 0 : i32
    return %arg0, %c0_i32 : i32, i32
  }
  func.func @transform_1(%arg0: i32) -> (i32, i32) {
    %c0_i32 = arith.constant 0 : i32
    %c0_i32_0 = arith.constant 0 : i32
    return %arg0, %c0_i32 : i32, i32
  }
  func.func @transform_2(%arg0: i32) -> (i32, i32) {
    %c0_i32 = arith.constant 0 : i32
    %c0_i32_0 = arith.constant 0 : i32
    %c0_i32_1 = arith.constant 0 : i32
    return %c0_i32, %c0_i32_0 : i32, i32
  }
  func.func @transform_3(%arg0: i32) -> (i32, i32) {
    %c0_i32 = arith.constant 0 : i32
    %c0_i32_0 = arith.constant 0 : i32
    %c0_i32_1 = arith.constant 0 : i32
    return %c0_i32, %c0_i32_0 : i32, i32
  }
  func.func @transform_4(%arg0: i32) -> (i32, i32) {
    %c0_i32 = arith.constant 0 : i32
    %c0_i32_0 = arith.constant 0 : i32
    %c0_i32_1 = arith.constant 0 : i32
    return %c0_i32, %c0_i32_0 : i32, i32
  }
  func.func @transform_5(%arg0: i32) -> (i32, i32) {
    %c0_i32 = arith.constant 0 : i32
    %c0_i32_0 = arith.constant 0 : i32
    %c0_i32_1 = arith.constant 0 : i32
    return %c0_i32, %c0_i32_0 : i32, i32
  }
  func.func @transform_6(%arg0: i32) -> (i32, i32) {
    %c0_i32 = arith.constant 0 : i32
    %c0_i32_0 = arith.constant 0 : i32
    %c0_i32_1 = arith.constant 0 : i32
    return %c0_i32, %c0_i32_0 : i32, i32
  }
  func.func @transform_7(%arg0: i32) -> (i32, i32) {
    %c0_i32 = arith.constant 0 : i32
    %c0_i32_0 = arith.constant 0 : i32
    %c0_i32_1 = arith.constant 0 : i32
    return %c0_i32, %c0_i32_0 : i32, i32
  }
  func.func @transform_8(%arg0: i32) -> (i32, i32) {
    %c0_i32 = arith.constant 0 : i32
    %c0_i32_0 = arith.constant 0 : i32
    return %arg0, %c0_i32 : i32, i32
  }
  func.func @transform_9(%arg0: i32) -> (i32, i32) {
    %c0_i32 = arith.constant 0 : i32
    %c0_i32_0 = arith.constant 0 : i32
    return %arg0, %c0_i32 : i32, i32
  }
  func.func @transform_10(%arg0: i32) -> (i32, i32) {
    %c0_i32 = arith.constant 0 : i32
    %c0_i32_0 = arith.constant 0 : i32
    return %arg0, %c0_i32 : i32, i32
  }
  func.func @transform_11(%arg0: i32) -> (i32, i32) {
    %c0_i32 = arith.constant 0 : i32
    %c0_i32_0 = arith.constant 0 : i32
    %c0_i32_1 = arith.constant 0 : i32
    return %c0_i32, %c0_i32_0 : i32, i32
  }
}

module attributes {stable_mosaic.version = 14 : i64} {
  func.func @_epilogue_body(%arg0: i32, %arg1: i32, %arg2: memref<2x1000x80xf32, #tpu.memory_space<vmem>>, %arg3: memref<2x1000x80xf32, #tpu.memory_space<vmem>>, %arg4: memref<64x64xf32, #tpu.memory_space<vmem>>, %arg5: memref<1x64xf32, #tpu.memory_space<vmem>>, %arg6: memref<1x64xf32, #tpu.memory_space<vmem>>, %arg7: memref<64x1xf32, #tpu.memory_space<vmem>>, %arg8: memref<1x1xf32, #tpu.memory_space<vmem>>, %arg9: memref<1x1xf32, #tpu.memory_space<vmem>>, %arg10: memref<2x64xf32, #tpu.memory_space<vmem>>, %arg11: memref<2x64xf32, #tpu.memory_space<vmem>>, %arg12: memref<1x64xf32, #tpu.memory_space<vmem>>) attributes {dimension_semantics = [#tpu.dimension_semantics<arbitrary>, #tpu.dimension_semantics<arbitrary>], iteration_bounds = array<i64: 2, 10>, scalar_prefetch = 0 : i64, scratch_operands = 3 : i64, tpu.core_type = #tpu.core_type<tc>, window_params = [{transform_indices = @transform_0, window_bounds = array<i64: 2, 1000, 80>}, {transform_indices = @transform_1, window_bounds = array<i64: 2, 1000, 80>}, {pipeline_mode = #tpu.pipeline_mode<synchronous>, transform_indices = @transform_2, window_bounds = array<i64: 64, 64>}, {pipeline_mode = #tpu.pipeline_mode<synchronous>, transform_indices = @transform_3, window_bounds = array<i64: 1, 64>}, {pipeline_mode = #tpu.pipeline_mode<synchronous>, transform_indices = @transform_4, window_bounds = array<i64: 1, 64>}, {pipeline_mode = #tpu.pipeline_mode<synchronous>, transform_indices = @transform_5, window_bounds = array<i64: 64, 1>}, {pipeline_mode = #tpu.pipeline_mode<synchronous>, transform_indices = @transform_6, window_bounds = array<i64: 1, 1>}, {pipeline_mode = #tpu.pipeline_mode<synchronous>, transform_indices = @transform_7, window_bounds = array<i64: 1, 1>}]} {
    %get3A = arith.constant 0 : index
    %get3A_0 = arith.constant 0 : index
    %get3A_1 = arith.constant 0 : index
    %get3A_2 = vector.load %arg2[%get3A, %get3A_0, %get3A_1] : memref<2x1000x80xf32, #tpu.memory_space<vmem>>, vector<1x1000x80xf32>
    %get3A_3 = vector.shape_cast %get3A_2 : vector<1x1000x80xf32> to vector<1000x80xf32>
    %get3A_4 = arith.constant 1 : index
    %get3A_5 = arith.constant 0 : index
    %get3A_6 = arith.constant 0 : index
    %get3A_7 = vector.load %arg2[%get3A_4, %get3A_5, %get3A_6] : memref<2x1000x80xf32, #tpu.memory_space<vmem>>, vector<1x1000x80xf32>
    %get3A_8 = vector.shape_cast %get3A_7 : vector<1x1000x80xf32> to vector<1000x80xf32>
    %get3A_9 = arith.constant 0 : index
    %get3A_10 = arith.constant 0 : index
    %get3A_11 = arith.constant 0 : index
    %get3A_12 = vector.load %arg3[%get3A_9, %get3A_10, %get3A_11] : memref<2x1000x80xf32, #tpu.memory_space<vmem>>, vector<1x1000x80xf32>
    %get3A_13 = vector.shape_cast %get3A_12 : vector<1x1000x80xf32> to vector<1000x80xf32>
    %get3A_14 = arith.constant 1 : index
    %get3A_15 = arith.constant 0 : index
    %get3A_16 = arith.constant 0 : index
    %get3A_17 = vector.load %arg3[%get3A_14, %get3A_15, %get3A_16] : memref<2x1000x80xf32, #tpu.memory_space<vmem>>, vector<1x1000x80xf32>
    %get3A_18 = vector.shape_cast %get3A_17 : vector<1x1000x80xf32> to vector<1000x80xf32>
    %add3A = arith.addf %get3A_3, %get3A_8 : vector<1000x80xf32>
    %add3A_19 = arith.addf %get3A_13, %get3A_18 : vector<1000x80xf32>
    %slice3A = vector.extract_strided_slice %add3A {offsets = [0, 0], sizes = [1000, 64], strides = [1, 1]} : vector<1000x80xf32> to vector<1000x64xf32>
    %slice3A_20 = vector.extract_strided_slice %add3A {offsets = [0, 64], sizes = [1000, 1], strides = [1, 1]} : vector<1000x80xf32> to vector<1000x1xf32>
    %add3A_21 = arith.constant 1.000000e-16 : f32
    %add3A_22 = vector.broadcast %add3A_21 : f32 to vector<1000x1xf32>
    %add3A_23 = arith.addf %slice3A_20, %add3A_22 : vector<1000x1xf32>
    %div3A = vector.broadcast %add3A_23 : vector<1000x1xf32> to vector<1000x64xf32>
    %div3A_24 = arith.divf %slice3A, %div3A : vector<1000x64xf32>
    %max3A = arith.constant 0.000000e+00 : f32
    %max3A_25 = vector.broadcast %max3A : f32 to vector<1000x64xf32>
    %max3A_26 = arith.maximumf %div3A_24, %max3A_25 : vector<1000x64xf32>
    %slice3A_27 = vector.extract_strided_slice %add3A_19 {offsets = [0, 0], sizes = [1000, 64], strides = [1, 1]} : vector<1000x80xf32> to vector<1000x64xf32>
    %slice3A_28 = vector.extract_strided_slice %add3A_19 {offsets = [0, 64], sizes = [1000, 1], strides = [1, 1]} : vector<1000x80xf32> to vector<1000x1xf32>
    %add3A_29 = arith.constant 1.000000e-16 : f32
    %add3A_30 = vector.broadcast %add3A_29 : f32 to vector<1000x1xf32>
    %add3A_31 = arith.addf %slice3A_28, %add3A_30 : vector<1000x1xf32>
    %div3A_32 = vector.broadcast %add3A_31 : vector<1000x1xf32> to vector<1000x64xf32>
    %div3A_33 = arith.divf %slice3A_27, %div3A_32 : vector<1000x64xf32>
    %max3A_34 = arith.constant 0.000000e+00 : f32
    %max3A_35 = vector.broadcast %max3A_34 : f32 to vector<1000x64xf32>
    %max3A_36 = arith.maximumf %div3A_33, %max3A_35 : vector<1000x64xf32>
    %eq3A = arith.constant 0 : i32
    %eq3A_37 = arith.cmpi eq, %arg0, %eq3A : i32
    %convert_element_type3A = arith.extui %eq3A_37 : i1 to i32
    %cond3A = arith.constant 0 : i32
    %cond3A_38 = arith.cmpi ne, %convert_element_type3A, %cond3A : i32
    scf.if %cond3A_38 {
      %get3A_44 = arith.constant 0 : index
      %get3A_45 = arith.constant 0 : index
      %get3A_46 = vector.load %arg4[%get3A_44, %get3A_45] : memref<64x64xf32, #tpu.memory_space<vmem>>, vector<64x64xf32>
      %dot_general3A = arith.constant dense<0.000000e+00> : vector<1000x64xf32>
      %dot_general3A_47 = tpu.matmul %max3A_26, %get3A_46, %dot_general3A {dimension_numbers = #tpu.dot_dimension_numbers<[1], [0], [0], [1], [0, 0, 1, 1], [], []>, transpose_lhs_hint = false} : vector<1000x64xf32>, vector<64x64xf32>, vector<1000x64xf32> -> vector<1000x64xf32>
      %get3A_48 = arith.constant 0 : index
      %get3A_49 = arith.constant 0 : index
      %get3A_50 = vector.load %arg5[%get3A_48, %get3A_49] : memref<1x64xf32, #tpu.memory_space<vmem>>, vector<1x64xf32>
      %add3A_51 = vector.broadcast %get3A_50 : vector<1x64xf32> to vector<1000x64xf32>
      %add3A_52 = arith.addf %dot_general3A_47, %add3A_51 : vector<1000x64xf32>
      %tanh3A = math.tanh %add3A_52 : vector<1000x64xf32>
      %get3A_53 = arith.constant 0 : index
      %get3A_54 = arith.constant 0 : index
      %get3A_55 = vector.load %arg4[%get3A_53, %get3A_54] : memref<64x64xf32, #tpu.memory_space<vmem>>, vector<64x64xf32>
      %dot_general3A_56 = arith.constant dense<0.000000e+00> : vector<1000x64xf32>
      %dot_general3A_57 = tpu.matmul %max3A_36, %get3A_55, %dot_general3A_56 {dimension_numbers = #tpu.dot_dimension_numbers<[1], [0], [0], [1], [0, 0, 1, 1], [], []>, transpose_lhs_hint = false} : vector<1000x64xf32>, vector<64x64xf32>, vector<1000x64xf32> -> vector<1000x64xf32>
      %get3A_58 = arith.constant 0 : index
      %get3A_59 = arith.constant 0 : index
      %get3A_60 = vector.load %arg5[%get3A_58, %get3A_59] : memref<1x64xf32, #tpu.memory_space<vmem>>, vector<1x64xf32>
      %add3A_61 = vector.broadcast %get3A_60 : vector<1x64xf32> to vector<1000x64xf32>
      %add3A_62 = arith.addf %dot_general3A_57, %add3A_61 : vector<1000x64xf32>
      %tanh3A_63 = math.tanh %add3A_62 : vector<1000x64xf32>
      %reduce_sum3A = arith.constant dense<0.000000e+00> : vector<64xf32>
      %reduce_sum3A_64 = vector.multi_reduction <add>, %tanh3A, %reduce_sum3A [0] : vector<1000x64xf32> to vector<64xf32>
      %broadcast_in_dim3A = vector.shape_cast %reduce_sum3A_64 : vector<64xf32> to vector<1x64xf32>
      %reduce_sum3A_65 = arith.constant dense<0.000000e+00> : vector<64xf32>
      %reduce_sum3A_66 = vector.multi_reduction <add>, %tanh3A_63, %reduce_sum3A_65 [0] : vector<1000x64xf32> to vector<64xf32>
      %broadcast_in_dim3A_67 = vector.shape_cast %reduce_sum3A_66 : vector<64xf32> to vector<1x64xf32>
      %concatenate3A = tpu.concatenate %broadcast_in_dim3A, %broadcast_in_dim3A_67 in 0 : vector<1x64xf32>, vector<1x64xf32> -> vector<2x64xf32>
      %eq3A_68 = arith.constant 0 : i32
      %eq3A_69 = arith.cmpi eq, %arg1, %eq3A_68 : i32
      %convert_element_type3A_70 = arith.extui %eq3A_69 : i1 to i32
      %cond3A_71 = arith.constant 0 : i32
      %cond3A_72 = arith.cmpi ne, %convert_element_type3A_70, %cond3A_71 : i32
      scf.if %cond3A_72 {
        %swap3A = arith.constant 0 : index
        %swap3A_82 = arith.constant 0 : index
        %swap3A_83 = vector.load %arg10[%swap3A, %swap3A_82] : memref<2x64xf32, #tpu.memory_space<vmem>>, vector<2x64xf32>
        tpu.vector_store %arg10[%swap3A, %swap3A_82], %concatenate3A {strides = array<i32>} : memref<2x64xf32, #tpu.memory_space<vmem>>, vector<2x64xf32>,
      } else {
      }
      %gt3A = arith.constant 0 : i32
      %gt3A_73 = arith.cmpi sgt, %arg1, %gt3A : i32
      %convert_element_type3A_74 = arith.extui %gt3A_73 : i1 to i32
      %cond3A_75 = arith.constant 0 : i32
      %cond3A_76 = arith.cmpi ne, %convert_element_type3A_74, %cond3A_75 : i32
      scf.if %cond3A_76 {
        %get3A_82 = arith.constant 0 : index
        %get3A_83 = arith.constant 0 : index
        %get3A_84 = vector.load %arg10[%get3A_82, %get3A_83] : memref<2x64xf32, #tpu.memory_space<vmem>>, vector<2x64xf32>
        %add3A_85 = arith.addf %get3A_84, %concatenate3A : vector<2x64xf32>
        %swap3A = arith.constant 0 : index
        %swap3A_86 = arith.constant 0 : index
        %swap3A_87 = vector.load %arg10[%swap3A, %swap3A_86] : memref<2x64xf32, #tpu.memory_space<vmem>>, vector<2x64xf32>
        tpu.vector_store %arg10[%swap3A, %swap3A_86], %add3A_85 {strides = array<i32>} : memref<2x64xf32, #tpu.memory_space<vmem>>, vector<2x64xf32>,
      } else {
      }
      %eq3A_77 = arith.constant 9 : i32
      %eq3A_78 = arith.cmpi eq, %arg1, %eq3A_77 : i32
      %convert_element_type3A_79 = arith.extui %eq3A_78 : i1 to i32
      %cond3A_80 = arith.constant 0 : i32
      %cond3A_81 = arith.cmpi ne, %convert_element_type3A_79, %cond3A_80 : i32
      scf.if %cond3A_81 {
        %get3A_82 = arith.constant 0 : index
        %get3A_83 = arith.constant 0 : index
        %get3A_84 = vector.load %arg10[%get3A_82, %get3A_83] : memref<2x64xf32, #tpu.memory_space<vmem>>, vector<2x64xf32>
        %div3A_85 = arith.constant 1.000000e+04 : f32
        %div3A_86 = vector.broadcast %div3A_85 : f32 to vector<2x64xf32>
        %div3A_87 = arith.divf %get3A_84, %div3A_86 : vector<2x64xf32>
        %get3A_88 = arith.constant 0 : index
        %get3A_89 = arith.constant 0 : index
        %get3A_90 = vector.load %arg6[%get3A_88, %get3A_89] : memref<1x64xf32, #tpu.memory_space<vmem>>, vector<1x64xf32>
        %mul3A = vector.broadcast %get3A_90 : vector<1x64xf32> to vector<2x64xf32>
        %mul3A_91 = arith.mulf %mul3A, %div3A_87 : vector<2x64xf32>
        %reduce_sum3A_92 = arith.constant dense<0.000000e+00> : vector<2xf32>
        %reduce_sum3A_93 = vector.multi_reduction <add>, %mul3A_91, %reduce_sum3A_92 [1] : vector<2x64xf32> to vector<2xf32>
        %broadcast_in_dim3A_94 = vector.shape_cast %reduce_sum3A_93 : vector<2xf32> to vector<2x1xf32>
        %reduce_max3A = arith.constant dense<0xFF800000> : vector<1xf32>
        %reduce_max3A_95 = vector.multi_reduction <maximumf>, %broadcast_in_dim3A_94, %reduce_max3A [0] : vector<2x1xf32> to vector<1xf32>
        %broadcast_in_dim3A_96 = vector.shape_cast %reduce_max3A_95 : vector<1xf32> to vector<1x1xf32>
        %sub3A = vector.broadcast %broadcast_in_dim3A_96 : vector<1x1xf32> to vector<2x1xf32>
        %sub3A_97 = arith.subf %broadcast_in_dim3A_94, %sub3A : vector<2x1xf32>
        %exp3A = math.exp %sub3A_97 : vector<2x1xf32>
        %reduce_sum3A_98 = arith.constant dense<0.000000e+00> : vector<1xf32>
        %reduce_sum3A_99 = vector.multi_reduction <add>, %exp3A, %reduce_sum3A_98 [0] : vector<2x1xf32> to vector<1xf32>
        %broadcast_in_dim3A_100 = vector.shape_cast %reduce_sum3A_99 : vector<1xf32> to vector<1x1xf32>
        %div3A_101 = vector.broadcast %broadcast_in_dim3A_100 : vector<1x1xf32> to vector<2x1xf32>
        %div3A_102 = arith.divf %exp3A, %div3A_101 : vector<2x1xf32>
        %broadcast_in_dim3A_103 = vector.shape_cast %div3A_102 : vector<2x1xf32> to vector<2x1xf32>
        %broadcast_in_dim3A_104 = vector.broadcast %broadcast_in_dim3A_103 : vector<2x1xf32> to vector<2x64xf32>
        %swap3A = arith.constant 0 : index
        %swap3A_105 = arith.constant 0 : index
        %swap3A_106 = vector.load %arg11[%swap3A, %swap3A_105] : memref<2x64xf32, #tpu.memory_space<vmem>>, vector<2x64xf32>
        tpu.vector_store %arg11[%swap3A, %swap3A_105], %broadcast_in_dim3A_104 {strides = array<i32>} : memref<2x64xf32, #tpu.memory_space<vmem>>, vector<2x64xf32>,
      } else {
      }
    } else {
    }
    %eq3A_39 = arith.constant 1 : i32
    %eq3A_40 = arith.cmpi eq, %arg0, %eq3A_39 : i32
    %convert_element_type3A_41 = arith.extui %eq3A_40 : i1 to i32
    %cond3A_42 = arith.constant 0 : i32
    %cond3A_43 = arith.cmpi ne, %convert_element_type3A_41, %cond3A_42 : i32
    scf.if %cond3A_43 {
      %get3A_44 = arith.constant 0 : index
      %get3A_45 = arith.constant 0 : index
      %get3A_46 = vector.load %arg11[%get3A_44, %get3A_45] : memref<2x64xf32, #tpu.memory_space<vmem>>, vector<1x64xf32>
      %mul3A = vector.broadcast %get3A_46 : vector<1x64xf32> to vector<1000x64xf32>
      %mul3A_47 = arith.mulf %mul3A, %max3A_26 : vector<1000x64xf32>
      %get3A_48 = arith.constant 1 : index
      %get3A_49 = arith.constant 0 : index
      %get3A_50 = vector.load %arg11[%get3A_48, %get3A_49] : memref<2x64xf32, #tpu.memory_space<vmem>>, vector<1x64xf32>
      %mul3A_51 = vector.broadcast %get3A_50 : vector<1x64xf32> to vector<1000x64xf32>
      %mul3A_52 = arith.mulf %mul3A_51, %max3A_36 : vector<1000x64xf32>
      %add3A_53 = arith.addf %mul3A_47, %mul3A_52 : vector<1000x64xf32>
      %reduce_max3A = arith.constant dense<0xFF800000> : vector<64xf32>
      %reduce_max3A_54 = vector.multi_reduction <maximumf>, %add3A_53, %reduce_max3A [0] : vector<1000x64xf32> to vector<64xf32>
      %broadcast_in_dim3A = vector.shape_cast %reduce_max3A_54 : vector<64xf32> to vector<1x64xf32>
      %eq3A_55 = arith.constant 0 : i32
      %eq3A_56 = arith.cmpi eq, %arg1, %eq3A_55 : i32
      %convert_element_type3A_57 = arith.extui %eq3A_56 : i1 to i32
      %cond3A_58 = arith.constant 0 : i32
      %cond3A_59 = arith.cmpi ne, %convert_element_type3A_57, %cond3A_58 : i32
      scf.if %cond3A_59 {
        %swap3A = arith.constant 0 : index
        %swap3A_69 = arith.constant 0 : index
        %swap3A_70 = vector.load %arg12[%swap3A, %swap3A_69] : memref<1x64xf32, #tpu.memory_space<vmem>>, vector<1x64xf32>
        tpu.vector_store %arg12[%swap3A, %swap3A_69], %broadcast_in_dim3A {strides = array<i32>} : memref<1x64xf32, #tpu.memory_space<vmem>>, vector<1x64xf32>,
      } else {
      }
      %gt3A = arith.constant 0 : i32
      %gt3A_60 = arith.cmpi sgt, %arg1, %gt3A : i32
      %convert_element_type3A_61 = arith.extui %gt3A_60 : i1 to i32
      %cond3A_62 = arith.constant 0 : i32
      %cond3A_63 = arith.cmpi ne, %convert_element_type3A_61, %cond3A_62 : i32
      scf.if %cond3A_63 {
        %get3A_69 = arith.constant 0 : index
        %get3A_70 = arith.constant 0 : index
        %get3A_71 = vector.load %arg12[%get3A_69, %get3A_70] : memref<1x64xf32, #tpu.memory_space<vmem>>, vector<1x64xf32>
        %max3A_72 = arith.maximumf %get3A_71, %broadcast_in_dim3A : vector<1x64xf32>
        %swap3A = arith.constant 0 : index
        %swap3A_73 = arith.constant 0 : index
        %swap3A_74 = vector.load %arg12[%swap3A, %swap3A_73] : memref<1x64xf32, #tpu.memory_space<vmem>>, vector<1x64xf32>
        tpu.vector_store %arg12[%swap3A, %swap3A_73], %max3A_72 {strides = array<i32>} : memref<1x64xf32, #tpu.memory_space<vmem>>, vector<1x64xf32>,
      } else {
      }
      %eq3A_64 = arith.constant 9 : i32
      %eq3A_65 = arith.cmpi eq, %arg1, %eq3A_64 : i32
      %convert_element_type3A_66 = arith.extui %eq3A_65 : i1 to i32
      %cond3A_67 = arith.constant 0 : i32
      %cond3A_68 = arith.cmpi ne, %convert_element_type3A_66, %cond3A_67 : i32
      scf.if %cond3A_68 {
        %get3A_69 = arith.constant 0 : index
        %get3A_70 = arith.constant 0 : index
        %get3A_71 = vector.load %arg12[%get3A_69, %get3A_70] : memref<1x64xf32, #tpu.memory_space<vmem>>, vector<1x64xf32>
        %get3A_72 = arith.constant 0 : index
        %get3A_73 = arith.constant 0 : index
        %get3A_74 = vector.load %arg7[%get3A_72, %get3A_73] : memref<64x1xf32, #tpu.memory_space<vmem>>, vector<64x1xf32>
        %dot_general3A = arith.constant dense<0.000000e+00> : vector<1x1xf32>
        %dot_general3A_75 = tpu.matmul %get3A_71, %get3A_74, %dot_general3A {dimension_numbers = #tpu.dot_dimension_numbers<[1], [0], [0], [1], [0, 0, 1, 1], [], []>, transpose_lhs_hint = false} : vector<1x64xf32>, vector<64x1xf32>, vector<1x1xf32> -> vector<1x1xf32>
        %get3A_76 = arith.constant 0 : index
        %get3A_77 = arith.constant 0 : index
        %get3A_78 = vector.load %arg8[%get3A_76, %get3A_77] : memref<1x1xf32, #tpu.memory_space<vmem>>, vector<1x1xf32>
        %add3A_79 = arith.addf %dot_general3A_75, %get3A_78 : vector<1x1xf32>
        %swap3A = arith.constant 0 : index
        %swap3A_80 = arith.constant 0 : index
        %swap3A_81 = vector.load %arg9[%swap3A, %swap3A_80] : memref<1x1xf32, #tpu.memory_space<vmem>>, vector<1x1xf32>
        tpu.vector_store %arg9[%swap3A, %swap3A_80], %add3A_79 {strides = array<i32>} : memref<1x1xf32, #tpu.memory_space<vmem>>, vector<1x1xf32>,
      } else {
      }
    } else {
    }
    return
  }
  func.func @transform_0(%arg0: i32, %arg1: i32) -> (i32, i32, i32) {
    %c0_i32 = arith.constant 0 : i32
    %c0_i32_0 = arith.constant 0 : i32
    %c0_i32_1 = arith.constant 0 : i32
    return %c0_i32, %arg1, %c0_i32_0 : i32, i32, i32
  }
  func.func @transform_1(%arg0: i32, %arg1: i32) -> (i32, i32, i32) {
    %c0_i32 = arith.constant 0 : i32
    %c0_i32_0 = arith.constant 0 : i32
    %c0_i32_1 = arith.constant 0 : i32
    return %c0_i32, %arg1, %c0_i32_0 : i32, i32, i32
  }
  func.func @transform_2(%arg0: i32, %arg1: i32) -> (i32, i32) {
    %c0_i32 = arith.constant 0 : i32
    %c0_i32_0 = arith.constant 0 : i32
    %c0_i32_1 = arith.constant 0 : i32
    return %c0_i32, %c0_i32_0 : i32, i32
  }
  func.func @transform_3(%arg0: i32, %arg1: i32) -> (i32, i32) {
    %c0_i32 = arith.constant 0 : i32
    %c0_i32_0 = arith.constant 0 : i32
    %c0_i32_1 = arith.constant 0 : i32
    return %c0_i32, %c0_i32_0 : i32, i32
  }
  func.func @transform_4(%arg0: i32, %arg1: i32) -> (i32, i32) {
    %c0_i32 = arith.constant 0 : i32
    %c0_i32_0 = arith.constant 0 : i32
    %c0_i32_1 = arith.constant 0 : i32
    return %c0_i32, %c0_i32_0 : i32, i32
  }
  func.func @transform_5(%arg0: i32, %arg1: i32) -> (i32, i32) {
    %c0_i32 = arith.constant 0 : i32
    %c0_i32_0 = arith.constant 0 : i32
    %c0_i32_1 = arith.constant 0 : i32
    return %c0_i32, %c0_i32_0 : i32, i32
  }
  func.func @transform_6(%arg0: i32, %arg1: i32) -> (i32, i32) {
    %c0_i32 = arith.constant 0 : i32
    %c0_i32_0 = arith.constant 0 : i32
    %c0_i32_1 = arith.constant 0 : i32
    return %c0_i32, %c0_i32_0 : i32, i32
  }
  func.func @transform_7(%arg0: i32, %arg1: i32) -> (i32, i32) {
    %c0_i32 = arith.constant 0 : i32
    %c0_i32_0 = arith.constant 0 : i32
    %c0_i32_1 = arith.constant 0 : i32
    return %c0_i32, %c0_i32_0 : i32, i32
  }
}

</mosaic_0001>

<sc_bundles>
// kernel: kernel.6.cloned.1.call-start
scs
__scs_entry_jumppad:
0x0: {  	(pc) =	sbr.rel $0x88, $3  }
0x1: {  	(tag) =	ssettag $0x0;
	lr =	simm.s32 $0x1  }
0x2: {  	[smem:$0x3F90] =	sst lr;
	_ =	strace $0xD0000000  }
0x3: {  	_ = 	snop  }
0x4: {  	_ = 	snop  }
0x5: {  	_ = 	snop  }
0x6: {  	_ = 	snop  }
0x7: {  	_ = 	snop  }
__scs_overlays_trampoline_lowered:
0x8: {  	[smem:$0x3F9F] =	sst s0  }
0x9: {  	[smem:$0x3FA0] =	sst s1  }
0xa: {  	[smem:$0x3FA1] =	sst s2  }
0xb: {  	[smem:$0x3FA2] =	sst s3  }
0xc: {  	[smem:$0x3FA3] =	sst s4  }
0xd: {  	[smem:$0x3FA4] =	sst s5  }
0xe: {  	[smem:$0x3FA5] =	sst s6  }
0xf: {  	[smem:$0x3FA6] =	sst s7  }
0x10: {  	[smem:$0x3FA7] =	sst s8  }
0x11: {  	[smem:$0x3FA8] =	sst s9;
	s0 =	simm.s32 @!p0 $0x0  }
0x12: {  	s1 =	sld [smem:$0x3F8E];
	s0 =	simm.s32 @p0 $0x1  }
0x13: {  	[smem:$0x3FA9] =	sst s0;
	s0 =	simm.s32 @!p1 $0x0  }
0x14: {  	s2 =	sld [smem:$0x3F8D];
	s0 =	simm.s32 @p1 $0x1  }
0x15: {  	[smem:$0x3FAA] =	sst s0;
	s0 =	simm.s32 @!p2 $0x0  }
0x16: {  	s3 =	sld [smem:$0x3FDB];
	s0 =	simm.s32 @p2 $0x1  }
0x17: {  	s4 =	simm.s32 $0x1BF5;
	[smem:$0x3FAC] =	sst s0  }
0x18: {  	s0 =	sld [smem:$0x3F8F];
	_ =	swait.ge [sflag:s4], $0x0  }
0x19: {  	s7 =	sld [smem:$0x3F90]  }
0x1a: {  	s8 =	sadd.s32 $0xFFFFE003, lr  }
0x1b: {  	s9 =	sadd.s32 $0xFFFFFEF7, lr;
	s5 =	simm.s32 $0xFFFFFFFF;
	p2 =	slt.u32 s8, $0xFFFFF086  }
0x1c: {  	p1 =	slt.u32 s9, $0xF7A;
	s5 =	simm.s32 @!p2 $0x0  }
0x1d: {  	s5 =	simm.s32 @p1 $0x1;
	p0 =	seq.s32 s7, s2  }
0x1e: {  	s7 =	smul.u32 @!p0 $0xF7A, s2;
	p2 =	seq.s32 @!p0 s5, $0x0  }
0x1f: {  	s9 =	smul.u32 $0xF7A, s1;
	s8 =	simm.s32 @!p0 $0x1BF5;
	p2 =	por !p2, p0  }
0x20: {  	[sflag:s8] =	ssyncset.s32 @!p0 $0xFFFFF086;
	s6 =	sadd.s32 @!p0 s3, s7;
	s7 =	simm.s32 @!p0 $0x108  }
0x21: {  	s3 =	sadd.s32 s3, s9;
	s6 =	sadd.s32 @!p0 $0x88, s6;
	s7 =	simm.s32 @p2 $0x1082  }
0x22: {  	[simem:s7], [sflag:s8] =	dma.local @!p0 [hbm:s6], $0xF7A  }
0x23: {  	s9 =	sor.u32 $0xD0000000, s2;
	s6 =	simm.s32 $0x108;
	_ =	swait.ge @!p0 [sflag:s8], $0x0  }
0x24: {  	s3 =	sadd.s32 $0x88, s3;
	s6 =	simm.s32 @!p1 $0x1082;
	[sflag:s4] =	ssyncset.s32 $0xFFFFF086  }
0x25: {  	[simem:s6], [sflag:s4] =	dma.local [hbm:s3], $0xF7A  }
0x26: {  	[smem:$0x3F90] =	sst s1;
	(tag) =	ssettag s2;
	_ =	strace s9  }
0x27: {  	s1 =	sld [smem:$0x3FA0]  }
0x28: {  	s2 =	sld [smem:$0x3FA1]  }
0x29: {  	s4 =	sld [smem:$0x3FA3]  }
0x2a: {  	p0 =	seq.s32 s5, $0x0;
	s5 =	sld [smem:$0x3FA4]  }
0x2b: {  	s6 =	sld [smem:$0x3FA5]  }
0x2c: {  	s7 =	sld [smem:$0x3FA6]  }
0x2d: {  	s3 =	simm.s32 $0x108;
	s8 =	sld [smem:$0x3FA7]  }
0x2e: {  	s3 =	simm.s32 @!p0 $0x1082;
	s9 =	sld [smem:$0x3FA8]  }
0x2f: {  	lr =	sadd.s32 s0, s3;
	s0 =	sld [smem:$0x3F9F]  }
0x30: {  	s3 =	sld [smem:$0x3FA2]  }
0x31: {  	[smem:$0x3FAB] =	sst s10  }
0x32: {  	s10 =	sld [smem:$0x3FA9];
	_ =	sdelay $0x3  }
0x33: {  	p0 =	seq.s32 s10, $0x1;
	s10 =	sld [smem:$0x3FAB];
	_ =	sdelay $0x3  }
0x34: {  	[smem:$0x3FAB] =	sst s10  }
0x35: {  	s10 =	sld [smem:$0x3FAA];
	_ =	sdelay $0x3  }
0x36: {  	p1 =	seq.s32 s10, $0x1;
	s10 =	sld [smem:$0x3FAB];
	_ =	sdelay $0x3  }
0x37: {  	[smem:$0x3FAB] =	sst s10  }
0x38: {  	s10 =	sld [smem:$0x3FAC]  }
0x39: {  	_ = 	snop;
	(pc) =	sbr.ind lr, $3  }
0x3a: {  	_ = 	snop  }
0x3b: {  	_ = 	snop  }
0x3c: {  	p2 =	seq.s32 s10, $0x1;
	s10 =	sld [smem:$0x3FAB]  }
0x3d: {  	_ =	shalt  }
0x3e: {  	_ =	shalt  }
0x3f: {  	_ =	shalt  }
0x40: {  	_ =	shalt  }
0x41: {  	_ =	shalt  }
0x42: {  	_ =	shalt  }
0x43: {  	_ =	shalt  }
0x44: {  	_ =	shalt  }
0x45: {  	_ =	shalt  }
0x46: {  	_ =	shalt  }
0x47: {  	_ =	shalt  }
0x48: {  	_ =	shalt  }
0x49: {  	_ =	shalt  }
0x4a: {  	_ =	shalt  }
0x4b: {  	_ =	shalt  }
0x4c: {  	_ =	shalt  }
0x4d: {  	_ =	shalt  }
0x4e: {  	_ =	shalt  }
0x4f: {  	_ =	shalt  }
0x50: {  	_ =	shalt  }
0x51: {  	_ =	shalt  }
0x52: {  	_ =	shalt  }
0x53: {  	_ =	shalt  }
0x54: {  	_ =	shalt  }
0x55: {  	_ =	shalt  }
0x56: {  	_ =	shalt  }
0x57: {  	_ =	shalt  }
0x58: {  	_ =	shalt  }
0x59: {  	_ =	shalt  }
0x5a: {  	_ =	shalt  }
0x5b: {  	_ =	shalt  }
0x5c: {  	_ =	shalt  }
0x5d: {  	_ =	shalt  }
0x5e: {  	_ =	shalt  }
0x5f: {  	_ =	shalt  }
0x60: {  	_ =	shalt  }
0x61: {  	_ =	shalt  }
0x62: {  	_ =	shalt  }
0x63: {  	_ =	shalt  }
0x64: {  	_ =	shalt  }
0x65: {  	_ =	shalt  }
0x66: {  	_ =	shalt  }
0x67: {  	_ =	shalt  }
0x68: {  	_ =	shalt  }
0x69: {  	_ =	shalt  }
0x6a: {  	_ =	shalt  }
0x6b: {  	_ =	shalt  }
0x6c: {  	_ =	shalt  }
0x6d: {  	_ =	shalt  }
0x6e: {  	_ =	shalt  }
0x6f: {  	_ =	shalt  }
0x70: {  	_ =	shalt  }
0x71: {  	_ =	shalt  }
0x72: {  	_ =	shalt  }
0x73: {  	_ =	shalt  }
0x74: {  	_ =	shalt  }
0x75: {  	_ =	shalt  }
0x76: {  	_ =	shalt  }
0x77: {  	_ =	shalt  }
0x78: {  	_ =	shalt  }
0x79: {  	_ =	shalt  }
0x7a: {  	_ =	shalt  }
0x7b: {  	_ =	shalt  }
0x7c: {  	_ =	shalt  }
0x7d: {  	_ =	shalt  }
0x7e: {  	_ =	shalt  }
0x7f: {  	_ =	shalt  }
0x80: {  	_ =	shalt  }
0x81: {  	_ =	shalt  }
0x82: {  	_ =	shalt  }
0x83: {  	_ =	shalt  }
0x84: {  	_ =	shalt  }
0x85: {  	_ =	shalt  }
0x86: {  	_ =	shalt  }
0x87: {  	_ =	shalt  }
.Lfunc_end0:
.L_simem_size_0:
called_computation_lowered:
.L_overlay_start_0:
0x88: {  	s2 =	sld [smem:$0x3FD9]  }
0x89: {  	s3 =	sld [smem:$0x3FFE];
	_ =	sdelay $0x1  }
0x8a: {  	s1 =	srdreg.scid  }
0x8b: {  	s0 =	sand.u32 $0x1, s1  }
0x8c: {  	s17 =	sshll.u32 s0, $0xA;
	s2 =	sadd.s32 s3, s2  }
0x8d: {  	s2 =	sadd.s32 s2, s17  }
0x8e: {  	[smem:$0x3FB7] =	sst s2  }
0x8f: {  	_ = 	snop  }
0x90: {  	s18 =	sld [smem:$0x3FD0];
	(tm) =	ssettm $0x1  }
0x91: {  	s19 =	sld [smem:$0x3FFB];
	_ =	sdelay $0x3  }
0x92: {  	_ =	strace s19  }
0x93: {  	s2 =	sld [smem:$0x3FFC];
	_ =	sdelay $0x3  }
0x94: {  	_ =	strace s2  }
0x95: {  	s2 =	sld [smem:$0x3FFD];
	_ =	sdelay $0x3  }
0x96: {  	_ =	strace s2  }
0x97: {  	_ =	strace $0x8FFFFFFF  }
0x98: {  	s20 =	sld [smem:$0x3FDB];
	_ =	sdelay $0x1  }
0x99: {  	s4 =	simm.s32 $_scs_section_size  }
0x9a: {  	s5 =	simm.s32 $_size__tile_overlayer_lowered;
	s6 =	simm.s32 $_tile_overlayer_lowered  }
0x9b: {  	s7 =	simm.s32 $0x1BFF;
	s21 =	sshll.u32 s6, $0x1;
	s4 =	sadd.s32 s4, s20  }
0x9c: {  	s22 =	simm.s32 $0x0;
	s5 =	sshll.u32 s5, $0x1;
	s6 =	sadd.s32 s21, s4  }
0x9d: {  	[timem:s22], [sflag:s7] =	dma.local [hbm:s6], s5  }
0x9e: {  	_ =	swait.ge [sflag:s7], s5  }
0x9f: {  	s5 =	ssub.s32 $0x0, s5;
	[sflag:s7] =	ssyncset.done $0x0  }
0xa0: {  	[sflag:s7] =	ssyncadd.s32 s5;
	_ =	sdelay $0x1  }
0xa1: {  	s23 =	simm.s32 $0x1B8B  }
0xa2: {  	_ =	swait.ge [sflag:s23], $0x1  }
0xa3: {  	[sflag:s23] =	ssyncset.done $0x0  }
0xa4: {  	[sflag:s23] =	ssyncadd.s32 $0xFFFFFFFF  }
0xa5: {  	s5 =	sld [smem:$0x0]  }
0xa6: {  	s6 =	sand.u32 $0xFFFFFFFE, s1  }
0xa7: {  	p0 =	sne.s32 s1, s6  }
0xa8: {  	s6 =	sshll.u32 @p0 s6, $0xE  }
0xa9: {  	s6 =	sadd.s32 @p0 $0x11B8D, s6;
	s7 =	sshll.u32 @p0 s5, $0x11  }
0xaa: {  	s6 =	sor.u32 @p0 s7, s6  }
0xab: {  	[sflag:s6] =	ssyncadd.remote.s32 @p0 $0x1;
	_ =	sdelay $0x1  }
0xac: {  	s6 =	simm.s32 @p0 $0x1B8D  }
0xad: {  	_ =	swait.eq @p0 [sflag:s6], $0x1  }
0xae: {  	[sflag:s6] =	ssyncadd.s32 @p0 $0xFFFFFFFF  }
0xaf: {  	s7 =	sshll.u32 @!p0 s1, $0xE  }
0xb0: {  	s7 =	sor.u32 @!p0 $0x4000, s7;
	s6 =	simm.s32 @!p0 $0x1B8D  }
0xb1: {  	s5 =	sshll.u32 @!p0 s5, $0x11;
	s7 =	sadd.s32 @!p0 $0x11B8D, s7;
	_ =	swait.eq @!p0 [sflag:s6], $0x1  }
0xb2: {  	s5 =	sor.u32 @!p0 s5, s7;
	[sflag:s6] =	ssyncadd.s32 @!p0 $0xFFFFFFFF  }
0xb3: {  	s25 =	simm.s32 $0x1B8E;
	s24 =	sld [smem:$0x3FFE];
	[sflag:s5] =	ssyncadd.remote.s32 @!p0 $0x1  }
0xb4: {  	s26 =	simm.s32 $execute0_lowered;
	[smem:$0x3FD2] =	sst s25  }
0xb5: {  	s6 =	sshll.u32 s26, $0x1;
	_ =	strace $0x80000049;
	[dreg:$0x1] =	wrdreg $0xFFFFFFFF  }
0xb6: {  	s28 =	simm.s32 $_size_execute0_lowered;
	s4 =	sadd.s32 s4, s6;
	[dreg:$0x0] =	wrdreg $0x0  }
0xb7: {  	s6 =	sshll.u32 s28, $0x1;
	[dreg:$0x2] =	wrdreg s4  }
0xb8: {  	[dreg:$0x3] =	wrdreg s6  }
0xb9: {  	[dreg:$0x4] =	wrdreg $0xC0  }
0xba: {  	_ =	task [dreg:s22], $0x5FFFF  }
0xbb: {  	[dreg:$0x1] =	wrdreg $0xFFFFFFFF  }
0xbc: {  	[dreg:$0x0] =	wrdreg $0x60  }
0xbd: {  	[dreg:$0x2] =	wrdreg s24  }
0xbe: {  	[dreg:$0x3] =	wrdreg s18  }
0xbf: {  	[dreg:$0x4] =	wrdreg $0x7C300  }
0xc0: {  	[dreg:$0x5] =	wrdreg $0x9  }
0xc1: {  	_ =	task.clear_ibuf [dreg:s22], $0x6FFFF;
	_ =	strace $0x90000049  }
0xc2: {  	s29 =	simm.s32 $0x9;
	_ =	strace $0x8000004B  }
0xc3: {  	_ =	swait.ge [sflag:s29], $0x1  }
0xc4: {  	[sflag:s29] =	ssyncadd.s32 $0xFFFFFFFF  }
0xc5: {  	_ =	strace $0x9000004B  }
0xc6: {  	_ =	sfence  }
0xc7: {  	s30 =	sld [smem:$0x0];
	_ =	sdelay $0x2  }
0xc8: {  	s31 =	sshll.u32 s1, $0xD;
	s1 =	sshrl.u32 s1, $0x2  }
0xc9: {  	s4 =	sand.u32 $0x4000, s31;
	s1 =	sadd.s32 s1, s30  }
0xca: {  	s0 =	sor.u32 s4, s0;
	s1 =	sshll.u32 s1, $0x11  }
0xcb: {  	s0 =	sor.u32 s1, s0  }
0xcc: {  	s0 =	sadd.s32 $0x8F2B, s0  }
0xcd: {  	[sflag:s0] =	ssyncadd.remote.s32 $0x1  }
0xce: {  	_ =	sfence.sel $0xFFFF  }
0xcf: {  	[dreg:$0x0] =	wrdreg $0xFFFFFFFF;
	(pc) =	sbr.abs _section_cstart, $3  }
0xd0: {  	[dreg:$0x1] =	wrdreg $0xFFFFFFFF  }
0xd1: {  	_ =	task.clear_ibuf [dreg:s22], $0x2FFFF;
	_ =	strace $0x9FFFFFFF  }
0xd2: {  	(tm) =	ssettm $0x7FFFFFFF  }
0xd3: {  	_ =	shalt  }
tec
execute0_lowered:
.L_overlay_start_1:
0x0: {  	(tag) =	ssettag $0x1  }
0x1: {  	s0 =	rddreg [dreg:$0x0]  }
0x2: {  	s3 =	rddreg [dreg:$0x2]  }
0x3: {  	s1 =	srdreg.scid;
	s12 =	stileid.u32  }
0x4: {  	s4 =	simm.s32 $0x0;
	s20 =	simm.s32 $0x2;
	s22 =	simm.s32 $0x6220  }
0x5: {  	s23 =	simm.s32 $0x7B20;
	s24 =	simm.s32 $0x7B70;
	s25 =	simm.s32 $0x50  }
0x6: {  	s28 =	simm.s32 $0x1;
	s29 =	simm.s32 $0x7BC0;
	s30 =	simm.s32 $0x0  }
0x7: {  	s31 =	simm.s32 $0x0;
	s1 =	sand.u32 $0x1, s1;
	s2 =	smul.u32 $0xC800, s12  }
0x8: {  	[smem:$0x7FF] =	sst s4;
	s5 =	sadd.s32 $0x78E00, s0;
	s10 =	smul.u32 $0x32000, s12  }
0x9: {  	s6 =	sadd.s32 $0x6F000, s0;
	s7 =	smul.u32 $0xC8000, s1;
	s26 =	ssub.s32 $0x2, s1  }
0xa: {  	_ =	strace $0x8000004A;
	s1 =	sshll.u32 s1, $0x4;
	s11 =	sshrl.u32 s26, $0x1  }
0xb: {  	s10 =	sshrl.u32 s10, $0x2;
	s1 =	sor.u32 s12, s1;
	s8 =	sadd.s32 s2, s7  }
0xc: {  	s7 =	sadd.s32 $0x5B600, s0;
	s19 =	ssub.s32 s26, s11;
	s16 =	sadd.s32 s10, s3  }
0xd: {  	s17 =	smul.u32 $0x2710, s1;
	s26 =	simm.s32 $0x4E20;
	s9 =	sshrl.u32 s8, $0x3  }
0xe: {  	s8 =	sadd.s32 $0x5AC00, s0;
	s10 =	sadd.s32 $0x1900, s16;
	s11 =	sadd.s32 $0x3200, s16  }
0xf: {  	s12 =	sadd.s32 $0x4B00, s16;
	s13 =	sadd.s32 $0x6400, s16;
	s14 =	sadd.s32 $0x7D00, s16  }
0x10: {  	v0 =	vimm.f32 $0.0e+00;
	vm0 =	vcmask $0x300;
	s15 =	sadd.s32 $0x9600, s16;
	s16 =	sadd.s32 $0xAF00, s16;
	s0 =	sadd.s32 s9, s0  }
0x11: {  	v1 =	vsel vm0, $0x3F800000, v0;
	s19 =	smax.u32 s19, $0x1;
	s9 =	sadd.s32 s2, s3;
	s18 =	sadd.s32 $0x82C00, s0  }
.LBB2_1:
0x12: {  	[tilespmem:s4], [sflag:$0x2] =	stream.linear.gather [hbm4b:s8+s4], $0x4E20, $0x38;
	[tilespmem:$0x14430] =	vst v63  }
0x13: {  	_ =	swait.ge [sflag:s20], $0x4E20  }
0x14: {  	[sflag:s20] =	ssyncset.done $0x0  }
0x15: {  	[sflag:s20] =	ssyncadd.s32 $0xFFFFB1E0  }
0x16: {  	s1 =	simm.s32 $0x7C10;
	s0 =	rddreg [dreg:$0x1]  }
0x17: {  	[tilespmem:s1], [sflag:$0x2] =	stream.linear.gather [hbm4b:s0+s4], $0x20, $0x38;
	[tilespmem:$0x14430] =	vst v63  }
0x18: {  	_ =	swait.ge [sflag:s20], $0x20  }
0x19: {  	[sflag:s20] =	ssyncset.done $0x0  }
0x1a: {  	[sflag:s20] =	ssyncadd.s32 $0xFFFFFFE0  }
0x1b: {  	s1 =	simm.s32 $0x140;
	s0 =	simm.s32 $0x0;
	v2 =	vld [tilespmem:$0x7C10]  }
.LBB2_2:
0x1c: {  	p0 =	sne.s32 s1, $0x62C0;
	[tilespmem:s0+$0x6260] =	vst v0;
	s2 =	smov.u32 s1;
	s1 =	sadd.s32 $0x140, s1  }
.Ltmp0:
0x1d: {  	[tilespmem:s0+$0x6250] =	vst v0;
	(pc) =	sbr.rel @p0 .LBB2_2-.Ltmp0, $4  }
0x1e: {  	[tilespmem:s0+$0x6240] =	vst v0  }
0x1f: {  	[tilespmem:s0+$0x6220] =	vst v0  }
0x20: {  	[tilespmem:s0+$0x6230] =	vst v0  }
0x21: {  	s0 =	sshra.s32 s2, $0x2  }
0x22: {  	[tilespmem:s0+$0x6260] =	vst v0  }
0x23: {  	[tilespmem:s0+$0x6250] =	vst v0  }
0x24: {  	[tilespmem:s0+$0x6240] =	vst v0  }
0x25: {  	[tilespmem:s0+$0x6220] =	vst v0  }
0x26: {  	[tilespmem:s0+$0x6230] =	vst v0  }
0x27: {  	[spmem:s9] =	stream.linear.scatter [tilespmem:s22], [sflag:$0x2], $0x1900, $0x38;
	[tilespmem:$0x14430] =	vst v63  }
0x28: {  	_ =	swait.ge [sflag:s20], $0x1900  }
0x29: {  	[sflag:s20] =	ssyncset.done $0x0  }
0x2a: {  	[sflag:s20] =	ssyncadd.s32 $0xFFFFE700  }
0x2b: {  	[spmem:s10] =	stream.linear.scatter [tilespmem:s22], [sflag:$0x2], $0x1900, $0x38;
	[tilespmem:$0x14430] =	vst v63  }
0x2c: {  	_ =	swait.ge [sflag:s20], $0x1900  }
0x2d: {  	[sflag:s20] =	ssyncset.done $0x0  }
0x2e: {  	[sflag:s20] =	ssyncadd.s32 $0xFFFFE700  }
0x2f: {  	[spmem:s11] =	stream.linear.scatter [tilespmem:s22], [sflag:$0x2], $0x1900, $0x38;
	[tilespmem:$0x14430] =	vst v63  }
0x30: {  	_ =	swait.ge [sflag:s20], $0x1900  }
0x31: {  	[sflag:s20] =	ssyncset.done $0x0  }
0x32: {  	[sflag:s20] =	ssyncadd.s32 $0xFFFFE700  }
0x33: {  	[spmem:s12] =	stream.linear.scatter [tilespmem:s22], [sflag:$0x2], $0x1900, $0x38;
	[tilespmem:$0x14430] =	vst v63  }
0x34: {  	_ =	swait.ge [sflag:s20], $0x1900  }
0x35: {  	[sflag:s20] =	ssyncset.done $0x0  }
0x36: {  	[sflag:s20] =	ssyncadd.s32 $0xFFFFE700  }
0x37: {  	[spmem:s13] =	stream.linear.scatter [tilespmem:s22], [sflag:$0x2], $0x1900, $0x38;
	[tilespmem:$0x14430] =	vst v63  }
0x38: {  	_ =	swait.ge [sflag:s20], $0x1900  }
0x39: {  	[sflag:s20] =	ssyncset.done $0x0  }
0x3a: {  	[sflag:s20] =	ssyncadd.s32 $0xFFFFE700  }
0x3b: {  	[spmem:s14] =	stream.linear.scatter [tilespmem:s22], [sflag:$0x2], $0x1900, $0x38;
	[tilespmem:$0x14430] =	vst v63  }
0x3c: {  	_ =	swait.ge [sflag:s20], $0x1900  }
0x3d: {  	[sflag:s20] =	ssyncset.done $0x0  }
0x3e: {  	[sflag:s20] =	ssyncadd.s32 $0xFFFFE700  }
0x3f: {  	[spmem:s15] =	stream.linear.scatter [tilespmem:s22], [sflag:$0x2], $0x1900, $0x38;
	[tilespmem:$0x14430] =	vst v63  }
0x40: {  	_ =	swait.ge [sflag:s20], $0x1900  }
0x41: {  	[sflag:s20] =	ssyncset.done $0x0  }
0x42: {  	[sflag:s20] =	ssyncadd.s32 $0xFFFFE700  }
0x43: {  	[spmem:s16] =	stream.linear.scatter [tilespmem:s22], [sflag:$0x2], $0x1900, $0x38;
	[tilespmem:$0x14430] =	vst v63  }
0x44: {  	_ =	swait.ge [sflag:s20], $0x1900  }
0x45: {  	[sflag:s20] =	ssyncset.done $0x0  }
0x46: {  	[sflag:s20] =	ssyncadd.s32 $0xFFFFE700  }
0x47: {  	s0 =	simm.s32 $0x0;
	[bflag:$0x0] =	sbarrier.arrive $0xFFFF  }
.LBB2_4:
0x48: {  	s1 =	smul.u32 $0x50, s0;
	_ =	sdelay $0x1  }
0x49: {  	s1 =	sadd.s32 s17, s1  }
0x4a: {  	s1 =	sshrl.u32 s1, $0x3  }
0x4b: {  	s2 =	sadd.s32 s5, s1  }
0x4c: {  	[tilespmem:s23], [sflag:$0x2] =	stream.linear.gather [hbm4b:s2+s31], $0x50, $0x38;
	[tilespmem:$0x14430] =	vst v63  }
0x4d: {  	_ =	swait.ge [sflag:s20], $0x50  }
0x4e: {  	[sflag:s20] =	ssyncset.done $0x0  }
0x4f: {  	s1 =	sadd.s32 s6, s1;
	[sflag:s20] =	ssyncadd.s32 $0xFFFFFFB0  }
0x50: {  	[tilespmem:s24], [sflag:$0x2] =	stream.linear.gather [hbm4b:s1+s31], $0x50, $0x38;
	[tilespmem:$0x14430] =	vst v63  }
0x51: {  	_ =	swait.ge [sflag:s20], $0x50  }
0x52: {  	[sflag:s20] =	ssyncset.done $0x0  }
0x53: {  	[sflag:s20] =	ssyncadd.s32 $0xFFFFFFB0  }
0x54: {  	[tilespmem:s26], [sflag:$0x1] =	stream.indirect.gather [hbm4b:s7+s25], $0x40, s23, s25, $0xb8;
	[tilespmem:$0x14430] =	vst v63  }
0x55: {  	_ =	swait.ge [sflag:s28], $0x1400  }
0x56: {  	[sflag:s28] =	ssyncset.done $0x0  }
0x57: {  	[sflag:s28] =	ssyncadd.s32 $0xFFFFEC00  }
0x58: {  	v3 =	vld [tilespmem:$0x7B20]  }
0x59: {  	v4 =	vld [tilespmem:$0x7B70];
	_ =	sdelay $0x4  }
0x5a: {  	v3 =	vshll.u32 v3, $0x1;
	v4 =	vshll.u32 v4, $0x1  }
0x5b: {  	v4 =	vor.u32 $0x1, v4;
	_ =	sdelay $0x3  }
0x5c: {  	v3 =	vld.idx.msk [tilespmem:v3+s31+$0x0], $0xffff  }
0x5d: {  	v4 =	vld.idx.msk [tilespmem:v4+s31+$0x0], $0xffff;
	_ =	sdelay $0x4  }
0x5e: {  	v3 =	vadd.f32 v4, v3;
	_ =	sdelay $0x1  }
0x5f: {  	v4 =	vmul.f32 $2.000000030e-01, v3  }
0x60: {  	vm0 =	vgt.f32 v3, $0.0e+00  }
0x61: {  	v3 =	vsel vm0, v3, v4  }
0x62: {  	v3 =	vsub.f32 v3, v2;
	_ =	sdelay $0x1  }
0x63: {  	v3 =	vmul.f32 $1.442695020e+00, v3;
	_ =	sdelay $0x1  }
0x64: {  	v4 =	vld [tilespmem:$0x7B80];
	(erf) = vpow2.f32 v3  }
0x65: {  	v3 =	vld [tilespmem:$0x7B30];
	_ =	sdelay $0x4  }
0x66: {  	v4 =	vshll.u32 v4, $0x1;
	v3 =	vshll.u32 v3, $0x1  }
0x67: {  	v4 =	vor.u32 $0x1, v4;
	_ =	sdelay $0x1  }
0x68: {  	v5 =	vpop (erf)  }
0x69: {  	[tilespmem:$0x7BC0] =	vst v5  }
0x6a: {  	v3 =	vld.idx.msk [tilespmem:v3+s31+$0x0], $0xffff  }
0x6b: {  	v4 =	vld.idx.msk [tilespmem:v4+s31+$0x0], $0xffff;
	_ =	sdelay $0x4  }
0x6c: {  	v3 =	vadd.f32 v4, v3;
	_ =	sdelay $0x1  }
0x6d: {  	v4 =	vmul.f32 $2.000000030e-01, v3  }
0x6e: {  	vm12 =	vgt.f32 v3, $0.0e+00  }
0x6f: {  	v3 =	vsel vm12, v3, v4  }
0x70: {  	v3 =	vsub.f32 v3, v2;
	_ =	sdelay $0x1  }
0x71: {  	v3 =	vmul.f32 $1.442695020e+00, v3;
	_ =	sdelay $0x1  }
0x72: {  	v4 =	vld [tilespmem:$0x7B90];
	(erf) = vpow2.f32 v3  }
0x73: {  	v3 =	vld [tilespmem:$0x7B40];
	_ =	sdelay $0x4  }
0x74: {  	v4 =	vshll.u32 v4, $0x1;
	v3 =	vshll.u32 v3, $0x1  }
0x75: {  	v4 =	vor.u32 $0x1, v4;
	_ =	sdelay $0x1  }
0x76: {  	v5 =	vpop (erf)  }
0x77: {  	[tilespmem:$0x7BD0] =	vst v5  }
0x78: {  	v3 =	vld.idx.msk [tilespmem:v3+s31+$0x0], $0xffff  }
0x79: {  	v4 =	vld.idx.msk [tilespmem:v4+s31+$0x0], $0xffff;
	_ =	sdelay $0x4  }
0x7a: {  	v3 =	vadd.f32 v4, v3;
	_ =	sdelay $0x1  }
0x7b: {  	v4 =	vmul.f32 $2.000000030e-01, v3  }
0x7c: {  	vm13 =	vgt.f32 v3, $0.0e+00  }
0x7d: {  	v3 =	vsel vm13, v3, v4  }
0x7e: {  	v3 =	vsub.f32 v3, v2;
	_ =	sdelay $0x1  }
0x7f: {  	v3 =	vmul.f32 $1.442695020e+00, v3;
	_ =	sdelay $0x1  }
0x80: {  	v4 =	vld [tilespmem:$0x7BA0];
	(erf) = vpow2.f32 v3  }
0x81: {  	v3 =	vld [tilespmem:$0x7B50];
	_ =	sdelay $0x4  }
0x82: {  	v4 =	vshll.u32 v4, $0x1;
	v3 =	vshll.u32 v3, $0x1  }
0x83: {  	v4 =	vor.u32 $0x1, v4;
	_ =	sdelay $0x1  }
0x84: {  	v5 =	vpop (erf)  }
0x85: {  	[tilespmem:$0x7BE0] =	vst v5  }
0x86: {  	v3 =	vld.idx.msk [tilespmem:v3+s31+$0x0], $0xffff  }
0x87: {  	v4 =	vld.idx.msk [tilespmem:v4+s31+$0x0], $0xffff;
	_ =	sdelay $0x4  }
0x88: {  	v3 =	vadd.f32 v4, v3;
	_ =	sdelay $0x1  }
0x89: {  	v4 =	vmul.f32 $2.000000030e-01, v3  }
0x8a: {  	vm14 =	vgt.f32 v3, $0.0e+00  }
0x8b: {  	v3 =	vsel vm14, v3, v4  }
0x8c: {  	v3 =	vsub.f32 v3, v2;
	_ =	sdelay $0x1  }
0x8d: {  	v3 =	vmul.f32 $1.442695020e+00, v3;
	_ =	sdelay $0x1  }
0x8e: {  	v4 =	vld [tilespmem:$0x7BB0];
	(erf) = vpow2.f32 v3  }
0x8f: {  	v3 =	vld [tilespmem:$0x7B60];
	_ =	sdelay $0x4  }
0x90: {  	v4 =	vshll.u32 v4, $0x1;
	v3 =	vshll.u32 v3, $0x1  }
0x91: {  	v4 =	vor.u32 $0x1, v4;
	_ =	sdelay $0x1  }
0x92: {  	v5 =	vpop (erf)  }
0x93: {  	[tilespmem:$0x7BF0] =	vst v5  }
0x94: {  	v3 =	vld.idx.msk [tilespmem:v3+s31+$0x0], $0xffff  }
0x95: {  	v4 =	vld.idx.msk [tilespmem:v4+s31+$0x0], $0xffff;
	_ =	sdelay $0x4  }
0x96: {  	v3 =	vadd.f32 v4, v3;
	_ =	sdelay $0x1  }
0x97: {  	v4 =	vmul.f32 $2.000000030e-01, v3  }
0x98: {  	vm15 =	vgt.f32 v3, $0.0e+00  }
0x99: {  	v3 =	vsel vm15, v3, v4  }
0x9a: {  	v3 =	vsub.f32 v3, v2;
	_ =	sdelay $0x1  }
0x9b: {  	v3 =	vmul.f32 $1.442695020e+00, v3;
	_ =	sdelay $0x1  }
0x9c: {  	(erf) = vpow2.f32 v3;
	_ =	sdelay $0x5  }
0x9d: {  	v3 =	vmov s31;
	_ =	sdelay $0x2  }
0x9e: {  	v4 =	vpop (erf)  }
0x9f: {  	[tilespmem:$0x7C00] =	vst v4  }
0xa0: {  	s2 =	simm.s32 $0x4E40;
	v3 =	vld.idx.msk [tilespmem:v3+s29+$0x0], $0xffff  }
0xa1: {  	v4 =	vld [tilespmem:s2+$0xFFFFFFE0];
	_ =	sdelay $0x4  }
0xa2: {  	v4 =	vmul.f32 v4, v3  }
0xa3: {  	s21 =	simm.s32 $0x6240  }
0xa4: {  	[tilespmem:s21+$0xFFFFFFE0] =	vst v4  }
0xa5: {  	v4 =	vld [tilespmem:s2+$0xFFFFFFF0];
	_ =	sdelay $0x4  }
0xa6: {  	v4 =	vmul.f32 v4, v3;
	_ =	sdelay $0x1  }
0xa7: {  	[tilespmem:s21+$0xFFFFFFF0] =	vst v4  }
0xa8: {  	v4 =	vld [tilespmem:s2+$0x0];
	_ =	sdelay $0x4  }
0xa9: {  	v4 =	vmul.f32 v4, v3;
	_ =	sdelay $0x1  }
0xaa: {  	[tilespmem:s21+$0x0] =	vst v4  }
0xab: {  	v4 =	vld [tilespmem:s2+$0x10]  }
0xac: {  	v5 =	vmul.f32 v1, v3  }
0xad: {  	s1 =	simm.s32 $0x1  }
0xae: {  	[tilespmem:s21+$0x20] =	vst v5;
	v5 =	vmov s1;
	s1 =	simm.s32 $0x2  }
.LBB2_5:
0xaf: {  	p0 =	sne.s32 s1, $0x4F  }
0xb0: {  	v3 =	vmul.f32 v4, v3;
	_ =	sdelay $0x1  }
0xb1: {  	[tilespmem:s21+$0x10] =	vst v3  }
0xb2: {  	s2 =	sadd.s32 $0x40, s2;
	v3 =	vld.idx.msk [tilespmem:v5+s29+$0x0], $0xffff  }
0xb3: {  	v4 =	vld [tilespmem:s2+$0xFFFFFFE0];
	_ =	sdelay $0x4  }
0xb4: {  	v5 =	vmul.f32 v1, v3;
	v4 =	vmul.f32 v4, v3  }
0xb5: {  	s21 =	sadd.s32 $0x50, s21  }
0xb6: {  	[tilespmem:s21+$0xFFFFFFE0] =	vst v4  }
0xb7: {  	v4 =	vld [tilespmem:s2+$0xFFFFFFF0];
	_ =	sdelay $0x4  }
0xb8: {  	v4 =	vmul.f32 v4, v3;
	_ =	sdelay $0x1  }
0xb9: {  	[tilespmem:s21+$0xFFFFFFF0] =	vst v4  }
0xba: {  	v4 =	vld [tilespmem:s2+$0x0];
	_ =	sdelay $0x4  }
0xbb: {  	v4 =	vmul.f32 v4, v3;
	_ =	sdelay $0x1  }
.Ltmp1:
0xbc: {  	[tilespmem:s21+$0x0] =	vst v4;
	(pc) =	sbr.rel @p0 .LBB2_5-.Ltmp1, $2  }
0xbd: {  	v4 =	vld [tilespmem:s2+$0x10];
	[tilespmem:s21+$0x20] =	vst v5;
	_ =	sdelay $0x2  }
0xbe: {  	v5 =	vmov s1;
	s1 =	sadd.s32 $0x1, s1  }
0xbf: {  	_ = 	snop  }
0xc0: {  	v3 =	vmul.f32 v4, v3;
	_ =	sdelay $0x1  }
0xc1: {  	[tilespmem:s21+$0x10] =	vst v3  }
0xc2: {  	s1 =	sadd.s32 $0x40, s2;
	v3 =	vld.idx.msk [tilespmem:v5+s29+$0x0], $0xffff  }
0xc3: {  	v63 =	vld [tilespmem:s1+$0xFFFFFFE0];
	_ =	sdelay $0x4  }
0xc4: {  	v4 =	vmul.f32 v63, v3  }
0xc5: {  	s21 =	sadd.s32 $0x50, s21  }
0xc6: {  	[tilespmem:s21+$0xFFFFFFE0] =	vst v4  }
0xc7: {  	v4 =	vld [tilespmem:s1+$0xFFFFFFF0];
	_ =	sdelay $0x4  }
0xc8: {  	v4 =	vmul.f32 v4, v3;
	_ =	sdelay $0x1  }
0xc9: {  	[tilespmem:s21+$0xFFFFFFF0] =	vst v4  }
0xca: {  	v4 =	vld [tilespmem:s1+$0x0];
	_ =	sdelay $0x4  }
0xcb: {  	v4 =	vmul.f32 v4, v3;
	_ =	sdelay $0x1  }
0xcc: {  	[tilespmem:s21+$0x0] =	vst v4  }
0xcd: {  	v4 =	vld [tilespmem:s1+$0x10];
	_ =	sdelay $0x3  }
0xce: {  	v5 =	vmul.f32 v1, v3  }
0xcf: {  	s0 =	sadd.s32 $0x1, s0;
	v3 =	vmul.f32 v4, v3  }
0xd0: {  	p0 =	sne.s32 s0, $0x7D;
	[tilespmem:s21+$0x20] =	vst v5  }
.Ltmp2:
0xd1: {  	[tilespmem:s21+$0x10] =	vst v3;
	(pc) =	sbr.rel @p0 .LBB2_4-.Ltmp2, $4  }
0xd2: {  	[spmem:s3] =	stream.indirect.scatter.add.f32 [tilespmem:s22], [sflag:$0x2], $0x50, s24, s25, $0xb8;
	[tilespmem:$0x14430] =	vst v63  }
0xd3: {  	_ =	swait.ge [sflag:s20], $0x1900  }
0xd4: {  	[sflag:s20] =	ssyncset.done $0x0  }
0xd5: {  	[sflag:s20] =	ssyncadd.s32 $0xFFFFE700  }
0xd6: {  	s0 =	stileid.u32;
	s30 =	sadd.s32 $0x1, s30  }
0xd7: {  	[bflag:$0x0] =	sbarrier.arrive $0xFFFF;
	s0 =	sshll.u32 s0, $0x6;
	p0 =	sne.s32 s30, s19  }
.Ltmp3:
0xd8: {  	s1 =	sshrl.u32 s9, $0x3;
	s0 =	sor.u32 $0x1C02, s0;
	(pc) =	sbr.rel @p0 .LBB2_1-.Ltmp3, $4  }
0xd9: {  	[hbm:s18], [sflag:s0] =	dma.local [spmem:s1], $0x1900  }
0xda: {  	_ =	swait.ge [sflag:s20], $0x1900  }
0xdb: {  	[sflag:s20] =	ssyncset.done $0x0  }
0xdc: {  	[sflag:s20] =	ssyncadd.s32 $0xFFFFE700  }
0xdd: {  	_ =	sfence.sel $0x180000  }
0xde: {  	[bflag:$0x0] =	sbarrier.arrive $0xFFFF  }
0xdf: {  	_ =	strace $0x9000004A  }
0xe0: {  	s0 =	stileid.u32;
	[bflag:$0x2] =	sbarrier.arrive $0xFFFF  }
0xe1: {  	p0 =	sne.s32 s0, $0x0;
	s0 =	rddreg [dreg:$0x3]  }
0xe2: {  	s0 =	sadd.s32 @!p0 $0x100000, s0  }
0xe3: {  	[sflag:s0] =	ssyncadd.tile.s32 @!p0 $0x1;
	_ =	shalt  }
.Lfunc_end2:
_tile_overlayer_lowered:
.L_overlay_start_2:
0xe4: {  	(tag) =	ssettag $0x2  }
0xe5: {  	s0 =	rddreg [dreg:$0x0];
	s2 =	stileid.u32  }
0xe6: {  	s1 =	rddreg [dreg:$0x1];
	p0 =	sne.s32 s2, $0x0  }
0xe7: {  	s3 =	rddreg [dreg:$0x2];
	[bflag:$0x3] =	sbarrier.arrive $0xFFFF;
	s2 =	simm.s32 @!p0 $0x1C02  }
0xe8: {  	[timem:s3], [sflag:s2] =	dma.local @!p0 [hbm:s0], s1  }
0xe9: {  	s0 =	simm.s32 @!p0 $0x2  }
0xea: {  	_ =	swait.ge @!p0 [sflag:s0], s1  }
0xeb: {  	s1 =	ssub.s32 @!p0 $0x0, s1;
	[sflag:s0] =	ssyncset.done @!p0 $0x0  }
0xec: {  	[sflag:s0] =	ssyncadd.s32 @!p0 s1  }
0xed: {  	[bflag:$0x3] =	sbarrier.arrive $0xFFFF  }
0xee: {  	_ =	shalt  }

// kernel: kernel.9.cloned.1.call-start
scs
__scs_entry_jumppad:
0x0: {  	(pc) =	sbr.rel $0x88, $3  }
0x1: {  	(tag) =	ssettag $0x0;
	lr =	simm.s32 $0x1  }
0x2: {  	[smem:$0x3F90] =	sst lr;
	_ =	strace $0xD0000000  }
0x3: {  	_ = 	snop  }
0x4: {  	_ = 	snop  }
0x5: {  	_ = 	snop  }
0x6: {  	_ = 	snop  }
0x7: {  	_ = 	snop  }
__scs_overlays_trampoline_lowered:
0x8: {  	[smem:$0x3F9F] =	sst s0  }
0x9: {  	[smem:$0x3FA0] =	sst s1  }
0xa: {  	[smem:$0x3FA1] =	sst s2  }
0xb: {  	[smem:$0x3FA2] =	sst s3  }
0xc: {  	[smem:$0x3FA3] =	sst s4  }
0xd: {  	[smem:$0x3FA4] =	sst s5  }
0xe: {  	[smem:$0x3FA5] =	sst s6  }
0xf: {  	[smem:$0x3FA6] =	sst s7  }
0x10: {  	[smem:$0x3FA7] =	sst s8  }
0x11: {  	[smem:$0x3FA8] =	sst s9;
	s0 =	simm.s32 @!p0 $0x0  }
0x12: {  	s1 =	sld [smem:$0x3F8E];
	s0 =	simm.s32 @p0 $0x1  }
0x13: {  	[smem:$0x3FA9] =	sst s0;
	s0 =	simm.s32 @!p1 $0x0  }
0x14: {  	s2 =	sld [smem:$0x3F8D];
	s0 =	simm.s32 @p1 $0x1  }
0x15: {  	[smem:$0x3FAA] =	sst s0;
	s0 =	simm.s32 @!p2 $0x0  }
0x16: {  	s3 =	sld [smem:$0x3FDB];
	s0 =	simm.s32 @p2 $0x1  }
0x17: {  	s4 =	simm.s32 $0x1BF5;
	[smem:$0x3FAC] =	sst s0  }
0x18: {  	s0 =	sld [smem:$0x3F8F];
	_ =	swait.ge [sflag:s4], $0x0  }
0x19: {  	s7 =	sld [smem:$0x3F90]  }
0x1a: {  	s8 =	sadd.s32 $0xFFFFE003, lr  }
0x1b: {  	s9 =	sadd.s32 $0xFFFFFEF7, lr;
	s5 =	simm.s32 $0xFFFFFFFF;
	p2 =	slt.u32 s8, $0xFFFFF086  }
0x1c: {  	p1 =	slt.u32 s9, $0xF7A;
	s5 =	simm.s32 @!p2 $0x0  }
0x1d: {  	s5 =	simm.s32 @p1 $0x1;
	p0 =	seq.s32 s7, s2  }
0x1e: {  	s7 =	smul.u32 @!p0 $0xF7A, s2;
	p2 =	seq.s32 @!p0 s5, $0x0  }
0x1f: {  	s9 =	smul.u32 $0xF7A, s1;
	s8 =	simm.s32 @!p0 $0x1BF5;
	p2 =	por !p2, p0  }
0x20: {  	[sflag:s8] =	ssyncset.s32 @!p0 $0xFFFFF086;
	s6 =	sadd.s32 @!p0 s3, s7;
	s7 =	simm.s32 @!p0 $0x108  }
0x21: {  	s3 =	sadd.s32 s3, s9;
	s6 =	sadd.s32 @!p0 $0x88, s6;
	s7 =	simm.s32 @p2 $0x1082  }
0x22: {  	[simem:s7], [sflag:s8] =	dma.local @!p0 [hbm:s6], $0xF7A  }
0x23: {  	s9 =	sor.u32 $0xD0000000, s2;
	s6 =	simm.s32 $0x108;
	_ =	swait.ge @!p0 [sflag:s8], $0x0  }
0x24: {  	s3 =	sadd.s32 $0x88, s3;
	s6 =	simm.s32 @!p1 $0x1082;
	[sflag:s4] =	ssyncset.s32 $0xFFFFF086  }
0x25: {  	[simem:s6], [sflag:s4] =	dma.local [hbm:s3], $0xF7A  }
0x26: {  	[smem:$0x3F90] =	sst s1;
	(tag) =	ssettag s2;
	_ =	strace s9  }
0x27: {  	s1 =	sld [smem:$0x3FA0]  }
0x28: {  	s2 =	sld [smem:$0x3FA1]  }
0x29: {  	s4 =	sld [smem:$0x3FA3]  }
0x2a: {  	p0 =	seq.s32 s5, $0x0;
	s5 =	sld [smem:$0x3FA4]  }
0x2b: {  	s6 =	sld [smem:$0x3FA5]  }
0x2c: {  	s7 =	sld [smem:$0x3FA6]  }
0x2d: {  	s3 =	simm.s32 $0x108;
	s8 =	sld [smem:$0x3FA7]  }
0x2e: {  	s3 =	simm.s32 @!p0 $0x1082;
	s9 =	sld [smem:$0x3FA8]  }
0x2f: {  	lr =	sadd.s32 s0, s3;
	s0 =	sld [smem:$0x3F9F]  }
0x30: {  	s3 =	sld [smem:$0x3FA2]  }
0x31: {  	[smem:$0x3FAB] =	sst s10  }
0x32: {  	s10 =	sld [smem:$0x3FA9];
	_ =	sdelay $0x3  }
0x33: {  	p0 =	seq.s32 s10, $0x1;
	s10 =	sld [smem:$0x3FAB];
	_ =	sdelay $0x3  }
0x34: {  	[smem:$0x3FAB] =	sst s10  }
0x35: {  	s10 =	sld [smem:$0x3FAA];
	_ =	sdelay $0x3  }
0x36: {  	p1 =	seq.s32 s10, $0x1;
	s10 =	sld [smem:$0x3FAB];
	_ =	sdelay $0x3  }
0x37: {  	[smem:$0x3FAB] =	sst s10  }
0x38: {  	s10 =	sld [smem:$0x3FAC]  }
0x39: {  	_ = 	snop;
	(pc) =	sbr.ind lr, $3  }
0x3a: {  	_ = 	snop  }
0x3b: {  	_ = 	snop  }
0x3c: {  	p2 =	seq.s32 s10, $0x1;
	s10 =	sld [smem:$0x3FAB]  }
0x3d: {  	_ =	shalt  }
0x3e: {  	_ =	shalt  }
0x3f: {  	_ =	shalt  }
0x40: {  	_ =	shalt  }
0x41: {  	_ =	shalt  }
0x42: {  	_ =	shalt  }
0x43: {  	_ =	shalt  }
0x44: {  	_ =	shalt  }
0x45: {  	_ =	shalt  }
0x46: {  	_ =	shalt  }
0x47: {  	_ =	shalt  }
0x48: {  	_ =	shalt  }
0x49: {  	_ =	shalt  }
0x4a: {  	_ =	shalt  }
0x4b: {  	_ =	shalt  }
0x4c: {  	_ =	shalt  }
0x4d: {  	_ =	shalt  }
0x4e: {  	_ =	shalt  }
0x4f: {  	_ =	shalt  }
0x50: {  	_ =	shalt  }
0x51: {  	_ =	shalt  }
0x52: {  	_ =	shalt  }
0x53: {  	_ =	shalt  }
0x54: {  	_ =	shalt  }
0x55: {  	_ =	shalt  }
0x56: {  	_ =	shalt  }
0x57: {  	_ =	shalt  }
0x58: {  	_ =	shalt  }
0x59: {  	_ =	shalt  }
0x5a: {  	_ =	shalt  }
0x5b: {  	_ =	shalt  }
0x5c: {  	_ =	shalt  }
0x5d: {  	_ =	shalt  }
0x5e: {  	_ =	shalt  }
0x5f: {  	_ =	shalt  }
0x60: {  	_ =	shalt  }
0x61: {  	_ =	shalt  }
0x62: {  	_ =	shalt  }
0x63: {  	_ =	shalt  }
0x64: {  	_ =	shalt  }
0x65: {  	_ =	shalt  }
0x66: {  	_ =	shalt  }
0x67: {  	_ =	shalt  }
0x68: {  	_ =	shalt  }
0x69: {  	_ =	shalt  }
0x6a: {  	_ =	shalt  }
0x6b: {  	_ =	shalt  }
0x6c: {  	_ =	shalt  }
0x6d: {  	_ =	shalt  }
0x6e: {  	_ =	shalt  }
0x6f: {  	_ =	shalt  }
0x70: {  	_ =	shalt  }
0x71: {  	_ =	shalt  }
0x72: {  	_ =	shalt  }
0x73: {  	_ =	shalt  }
0x74: {  	_ =	shalt  }
0x75: {  	_ =	shalt  }
0x76: {  	_ =	shalt  }
0x77: {  	_ =	shalt  }
0x78: {  	_ =	shalt  }
0x79: {  	_ =	shalt  }
0x7a: {  	_ =	shalt  }
0x7b: {  	_ =	shalt  }
0x7c: {  	_ =	shalt  }
0x7d: {  	_ =	shalt  }
0x7e: {  	_ =	shalt  }
0x7f: {  	_ =	shalt  }
0x80: {  	_ =	shalt  }
0x81: {  	_ =	shalt  }
0x82: {  	_ =	shalt  }
0x83: {  	_ =	shalt  }
0x84: {  	_ =	shalt  }
0x85: {  	_ =	shalt  }
0x86: {  	_ =	shalt  }
0x87: {  	_ =	shalt  }
.Lfunc_end0:
.L_simem_size_0:
called_computation.1_lowered:
.L_overlay_start_0:
0x88: {  	s2 =	sld [smem:$0x3FD9]  }
0x89: {  	s3 =	sld [smem:$0x3FFE];
	_ =	sdelay $0x1  }
0x8a: {  	s1 =	srdreg.scid  }
0x8b: {  	s0 =	sand.u32 $0x1, s1  }
0x8c: {  	s17 =	sshll.u32 s0, $0xA;
	s2 =	sadd.s32 s3, s2  }
0x8d: {  	s2 =	sadd.s32 s2, s17  }
0x8e: {  	[smem:$0x3FB7] =	sst s2  }
0x8f: {  	_ = 	snop  }
0x90: {  	s2 =	sld [smem:$0x3FD0];
	(tm) =	ssettm $0x1  }
0x91: {  	s18 =	sld [smem:$0x3FFB];
	_ =	sdelay $0x3  }
0x92: {  	_ =	strace s18  }
0x93: {  	s3 =	sld [smem:$0x3FFC];
	_ =	sdelay $0x3  }
0x94: {  	_ =	strace s3  }
0x95: {  	s3 =	sld [smem:$0x3FFD];
	_ =	sdelay $0x3  }
0x96: {  	_ =	strace s3  }
0x97: {  	_ =	strace $0x8FFFFFFF  }
0x98: {  	s19 =	sld [smem:$0x3FDB];
	_ =	sdelay $0x1  }
0x99: {  	s4 =	simm.s32 $_scs_section_size  }
0x9a: {  	s5 =	simm.s32 $_size__tile_overlayer_lowered;
	s6 =	simm.s32 $_tile_overlayer_lowered  }
0x9b: {  	s22 =	simm.s32 $0x1BFF;
	s21 =	sshll.u32 s6, $0x1;
	s3 =	sadd.s32 s4, s19  }
0x9c: {  	s7 =	simm.s32 $0x0;
	s20 =	sshll.u32 s5, $0x1;
	s5 =	sadd.s32 s21, s3  }
0x9d: {  	[timem:s7], [sflag:s22] =	dma.local [hbm:s5], s20  }
0x9e: {  	_ =	swait.ge [sflag:s22], s20  }
0x9f: {  	s4 =	ssub.s32 $0x0, s20;
	[sflag:s22] =	ssyncset.done $0x0  }
0xa0: {  	[sflag:s22] =	ssyncadd.s32 s4;
	_ =	sdelay $0x1  }
0xa1: {  	s23 =	simm.s32 $0x1B8B  }
0xa2: {  	_ =	swait.ge [sflag:s23], $0x1  }
0xa3: {  	[sflag:s23] =	ssyncset.done $0x0  }
0xa4: {  	s25 =	simm.s32 $0x1B8E;
	s24 =	sld [smem:$0x3FFE];
	[sflag:s23] =	ssyncadd.s32 $0xFFFFFFFF  }
0xa5: {  	s26 =	simm.s32 $execute0_lowered;
	[smem:$0x3FD2] =	sst s25  }
0xa6: {  	s5 =	sshll.u32 s26, $0x1;
	_ =	strace $0x80000046;
	[dreg:$0x1] =	wrdreg $0xFFFFFFFF  }
0xa7: {  	s28 =	simm.s32 $_size_execute0_lowered;
	s3 =	sadd.s32 s3, s5;
	[dreg:$0x0] =	wrdreg $0x0  }
0xa8: {  	s5 =	sshll.u32 s28, $0x1;
	[dreg:$0x2] =	wrdreg s3  }
0xa9: {  	[dreg:$0x3] =	wrdreg s5  }
0xaa: {  	[dreg:$0x4] =	wrdreg $0xC0  }
0xab: {  	_ =	task [dreg:s7], $0x5FFFF  }
0xac: {  	[dreg:$0x1] =	wrdreg $0xFFFFFFFF  }
0xad: {  	[dreg:$0x0] =	wrdreg $0x60  }
0xae: {  	[dreg:$0x2] =	wrdreg s24  }
0xaf: {  	[dreg:$0x3] =	wrdreg s2  }
0xb0: {  	[dreg:$0x4] =	wrdreg $0x7C300  }
0xb1: {  	[dreg:$0x5] =	wrdreg $0xA  }
0xb2: {  	_ =	task.clear_ibuf [dreg:s7], $0x6FFFF;
	_ =	strace $0x90000046  }
0xb3: {  	s29 =	simm.s32 $0xA;
	_ =	strace $0x80000048  }
0xb4: {  	_ =	swait.ge [sflag:s29], $0x1  }
0xb5: {  	[sflag:s29] =	ssyncadd.s32 $0xFFFFFFFF  }
0xb6: {  	_ =	strace $0x90000048  }
0xb7: {  	_ =	sfence  }
0xb8: {  	s30 =	sld [smem:$0x0];
	_ =	sdelay $0x2  }
0xb9: {  	s31 =	sshll.u32 s1, $0xD;
	s1 =	sshrl.u32 s1, $0x2  }
0xba: {  	s3 =	sand.u32 $0x4000, s31;
	s1 =	sadd.s32 s1, s30  }
0xbb: {  	s0 =	sor.u32 s3, s0;
	s1 =	sshll.u32 s1, $0x11  }
0xbc: {  	s0 =	sor.u32 s1, s0  }
0xbd: {  	s0 =	sadd.s32 $0x8F2B, s0  }
0xbe: {  	[sflag:s0] =	ssyncadd.remote.s32 $0x1  }
0xbf: {  	_ =	sfence.sel $0xFFFF  }
0xc0: {  	[dreg:$0x0] =	wrdreg $0xFFFFFFFF;
	(pc) =	sbr.abs _section_cstart, $3  }
0xc1: {  	[dreg:$0x1] =	wrdreg $0xFFFFFFFF  }
0xc2: {  	_ =	task.clear_ibuf [dreg:s7], $0x2FFFF;
	_ =	strace $0x9FFFFFFF  }
0xc3: {  	(tm) =	ssettm $0x7FFFFFFF  }
tec
execute0_lowered:
.L_overlay_start_1:
0x0: {  	(tag) =	ssettag $0x1  }
0x1: {  	s0 =	rddreg [dreg:$0x0]  }
0x2: {  	s3 =	rddreg [dreg:$0x2]  }
0x3: {  	s1 =	srdreg.scid;
	s12 =	stileid.u32  }
0x4: {  	s4 =	simm.s32 $0x0;
	s20 =	simm.s32 $0x2;
	s22 =	simm.s32 $0x6220  }
0x5: {  	s23 =	simm.s32 $0x7B20;
	s24 =	simm.s32 $0x7B70;
	s25 =	simm.s32 $0x50  }
0x6: {  	s28 =	simm.s32 $0x1;
	s29 =	simm.s32 $0x7BC0;
	s30 =	simm.s32 $0x0  }
0x7: {  	s31 =	simm.s32 $0x0;
	s1 =	sand.u32 $0x1, s1;
	s2 =	smul.u32 $0xC800, s12  }
0x8: {  	[smem:$0x7FF] =	sst s4;
	s5 =	sadd.s32 $0x1EE00, s0;
	s10 =	smul.u32 $0x32000, s12  }
0x9: {  	s6 =	sadd.s32 $0x15000, s0;
	s7 =	smul.u32 $0xC8000, s1;
	s26 =	ssub.s32 $0x2, s1  }
0xa: {  	_ =	strace $0x80000047;
	s1 =	sshll.u32 s1, $0x4;
	s11 =	sshrl.u32 s26, $0x1  }
0xb: {  	s10 =	sshrl.u32 s10, $0x2;
	s1 =	sor.u32 s12, s1;
	s8 =	sadd.s32 s2, s7  }
0xc: {  	s7 =	sadd.s32 $0x1600, s0;
	s19 =	ssub.s32 s26, s11;
	s16 =	sadd.s32 s10, s3  }
0xd: {  	s17 =	smul.u32 $0x2710, s1;
	s26 =	simm.s32 $0x4E20;
	s9 =	sshrl.u32 s8, $0x3  }
0xe: {  	s8 =	sadd.s32 $0xC00, s0;
	s10 =	sadd.s32 $0x1900, s16;
	s11 =	sadd.s32 $0x3200, s16  }
0xf: {  	s12 =	sadd.s32 $0x4B00, s16;
	s13 =	sadd.s32 $0x6400, s16;
	s14 =	sadd.s32 $0x7D00, s16  }
0x10: {  	v0 =	vimm.f32 $0.0e+00;
	vm0 =	vcmask $0x300;
	s15 =	sadd.s32 $0x9600, s16;
	s16 =	sadd.s32 $0xAF00, s16;
	s0 =	sadd.s32 s9, s0  }
0x11: {  	v1 =	vsel vm0, $0x3F800000, v0;
	s19 =	smax.u32 s19, $0x1;
	s9 =	sadd.s32 s2, s3;
	s18 =	sadd.s32 $0x28C00, s0  }
.LBB2_1:
0x12: {  	[tilespmem:s4], [sflag:$0x2] =	stream.linear.gather [hbm4b:s8+s4], $0x4E20, $0x38;
	[tilespmem:$0x14430] =	vst v63  }
0x13: {  	_ =	swait.ge [sflag:s20], $0x4E20  }
0x14: {  	[sflag:s20] =	ssyncset.done $0x0  }
0x15: {  	[sflag:s20] =	ssyncadd.s32 $0xFFFFB1E0  }
0x16: {  	s1 =	simm.s32 $0x7C10;
	s0 =	rddreg [dreg:$0x1]  }
0x17: {  	[tilespmem:s1], [sflag:$0x2] =	stream.linear.gather [hbm4b:s0+s4], $0x20, $0x38;
	[tilespmem:$0x14430] =	vst v63  }
0x18: {  	_ =	swait.ge [sflag:s20], $0x20  }
0x19: {  	[sflag:s20] =	ssyncset.done $0x0  }
0x1a: {  	[sflag:s20] =	ssyncadd.s32 $0xFFFFFFE0  }
0x1b: {  	s1 =	simm.s32 $0x140;
	s0 =	simm.s32 $0x0;
	v2 =	vld [tilespmem:$0x7C20]  }
.LBB2_2:
0x1c: {  	p0 =	sne.s32 s1, $0x62C0;
	[tilespmem:s0+$0x6260] =	vst v0;
	s2 =	smov.u32 s1;
	s1 =	sadd.s32 $0x140, s1  }
.Ltmp0:
0x1d: {  	[tilespmem:s0+$0x6250] =	vst v0;
	(pc) =	sbr.rel @p0 .LBB2_2-.Ltmp0, $4  }
0x1e: {  	[tilespmem:s0+$0x6240] =	vst v0  }
0x1f: {  	[tilespmem:s0+$0x6220] =	vst v0  }
0x20: {  	[tilespmem:s0+$0x6230] =	vst v0  }
0x21: {  	s0 =	sshra.s32 s2, $0x2  }
0x22: {  	[tilespmem:s0+$0x6260] =	vst v0  }
0x23: {  	[tilespmem:s0+$0x6250] =	vst v0  }
0x24: {  	[tilespmem:s0+$0x6240] =	vst v0  }
0x25: {  	[tilespmem:s0+$0x6220] =	vst v0  }
0x26: {  	[tilespmem:s0+$0x6230] =	vst v0  }
0x27: {  	[spmem:s9] =	stream.linear.scatter [tilespmem:s22], [sflag:$0x2], $0x1900, $0x38;
	[tilespmem:$0x14430] =	vst v63  }
0x28: {  	_ =	swait.ge [sflag:s20], $0x1900  }
0x29: {  	[sflag:s20] =	ssyncset.done $0x0  }
0x2a: {  	[sflag:s20] =	ssyncadd.s32 $0xFFFFE700  }
0x2b: {  	[spmem:s10] =	stream.linear.scatter [tilespmem:s22], [sflag:$0x2], $0x1900, $0x38;
	[tilespmem:$0x14430] =	vst v63  }
0x2c: {  	_ =	swait.ge [sflag:s20], $0x1900  }
0x2d: {  	[sflag:s20] =	ssyncset.done $0x0  }
0x2e: {  	[sflag:s20] =	ssyncadd.s32 $0xFFFFE700  }
0x2f: {  	[spmem:s11] =	stream.linear.scatter [tilespmem:s22], [sflag:$0x2], $0x1900, $0x38;
	[tilespmem:$0x14430] =	vst v63  }
0x30: {  	_ =	swait.ge [sflag:s20], $0x1900  }
0x31: {  	[sflag:s20] =	ssyncset.done $0x0  }
0x32: {  	[sflag:s20] =	ssyncadd.s32 $0xFFFFE700  }
0x33: {  	[spmem:s12] =	stream.linear.scatter [tilespmem:s22], [sflag:$0x2], $0x1900, $0x38;
	[tilespmem:$0x14430] =	vst v63  }
0x34: {  	_ =	swait.ge [sflag:s20], $0x1900  }
0x35: {  	[sflag:s20] =	ssyncset.done $0x0  }
0x36: {  	[sflag:s20] =	ssyncadd.s32 $0xFFFFE700  }
0x37: {  	[spmem:s13] =	stream.linear.scatter [tilespmem:s22], [sflag:$0x2], $0x1900, $0x38;
	[tilespmem:$0x14430] =	vst v63  }
0x38: {  	_ =	swait.ge [sflag:s20], $0x1900  }
0x39: {  	[sflag:s20] =	ssyncset.done $0x0  }
0x3a: {  	[sflag:s20] =	ssyncadd.s32 $0xFFFFE700  }
0x3b: {  	[spmem:s14] =	stream.linear.scatter [tilespmem:s22], [sflag:$0x2], $0x1900, $0x38;
	[tilespmem:$0x14430] =	vst v63  }
0x3c: {  	_ =	swait.ge [sflag:s20], $0x1900  }
0x3d: {  	[sflag:s20] =	ssyncset.done $0x0  }
0x3e: {  	[sflag:s20] =	ssyncadd.s32 $0xFFFFE700  }
0x3f: {  	[spmem:s15] =	stream.linear.scatter [tilespmem:s22], [sflag:$0x2], $0x1900, $0x38;
	[tilespmem:$0x14430] =	vst v63  }
0x40: {  	_ =	swait.ge [sflag:s20], $0x1900  }
0x41: {  	[sflag:s20] =	ssyncset.done $0x0  }
0x42: {  	[sflag:s20] =	ssyncadd.s32 $0xFFFFE700  }
0x43: {  	[spmem:s16] =	stream.linear.scatter [tilespmem:s22], [sflag:$0x2], $0x1900, $0x38;
	[tilespmem:$0x14430] =	vst v63  }
0x44: {  	_ =	swait.ge [sflag:s20], $0x1900  }
0x45: {  	[sflag:s20] =	ssyncset.done $0x0  }
0x46: {  	[sflag:s20] =	ssyncadd.s32 $0xFFFFE700  }
0x47: {  	s0 =	simm.s32 $0x0;
	[bflag:$0x0] =	sbarrier.arrive $0xFFFF  }
.LBB2_4:
0x48: {  	s1 =	smul.u32 $0x50, s0;
	_ =	sdelay $0x1  }
0x49: {  	s1 =	sadd.s32 s17, s1  }
0x4a: {  	s1 =	sshrl.u32 s1, $0x3  }
0x4b: {  	s2 =	sadd.s32 s5, s1  }
0x4c: {  	[tilespmem:s23], [sflag:$0x2] =	stream.linear.gather [hbm4b:s2+s31], $0x50, $0x38;
	[tilespmem:$0x14430] =	vst v63  }
0x4d: {  	_ =	swait.ge [sflag:s20], $0x50  }
0x4e: {  	[sflag:s20] =	ssyncset.done $0x0  }
0x4f: {  	s1 =	sadd.s32 s6, s1;
	[sflag:s20] =	ssyncadd.s32 $0xFFFFFFB0  }
0x50: {  	[tilespmem:s24], [sflag:$0x2] =	stream.linear.gather [hbm4b:s1+s31], $0x50, $0x38;
	[tilespmem:$0x14430] =	vst v63  }
0x51: {  	_ =	swait.ge [sflag:s20], $0x50  }
0x52: {  	[sflag:s20] =	ssyncset.done $0x0  }
0x53: {  	[sflag:s20] =	ssyncadd.s32 $0xFFFFFFB0  }
0x54: {  	[tilespmem:s26], [sflag:$0x1] =	stream.indirect.gather [hbm4b:s7+s25], $0x40, s23, s25, $0xb8;
	[tilespmem:$0x14430] =	vst v63  }
0x55: {  	_ =	swait.ge [sflag:s28], $0x1400  }
0x56: {  	[sflag:s28] =	ssyncset.done $0x0  }
0x57: {  	[sflag:s28] =	ssyncadd.s32 $0xFFFFEC00  }
0x58: {  	v3 =	vld [tilespmem:$0x7B20]  }
0x59: {  	v4 =	vld [tilespmem:$0x7B70];
	_ =	sdelay $0x4  }
0x5a: {  	v3 =	vshll.u32 v3, $0x1;
	v4 =	vshll.u32 v4, $0x1  }
0x5b: {  	v4 =	vor.u32 $0x1, v4;
	_ =	sdelay $0x3  }
0x5c: {  	v3 =	vld.idx.msk [tilespmem:v3+s31+$0x0], $0xffff  }
0x5d: {  	v4 =	vld.idx.msk [tilespmem:v4+s31+$0x0], $0xffff;
	_ =	sdelay $0x4  }
0x5e: {  	v3 =	vadd.f32 v4, v3;
	_ =	sdelay $0x1  }
0x5f: {  	v4 =	vmul.f32 $2.000000030e-01, v3  }
0x60: {  	vm0 =	vgt.f32 v3, $0.0e+00  }
0x61: {  	v3 =	vsel vm0, v3, v4  }
0x62: {  	v3 =	vsub.f32 v3, v2;
	_ =	sdelay $0x1  }
0x63: {  	v3 =	vmul.f32 $1.442695020e+00, v3;
	_ =	sdelay $0x1  }
0x64: {  	v4 =	vld [tilespmem:$0x7B80];
	(erf) = vpow2.f32 v3  }
0x65: {  	v3 =	vld [tilespmem:$0x7B30];
	_ =	sdelay $0x4  }
0x66: {  	v4 =	vshll.u32 v4, $0x1;
	v3 =	vshll.u32 v3, $0x1  }
0x67: {  	v4 =	vor.u32 $0x1, v4;
	_ =	sdelay $0x1  }
0x68: {  	v5 =	vpop (erf)  }
0x69: {  	[tilespmem:$0x7BC0] =	vst v5  }
0x6a: {  	v3 =	vld.idx.msk [tilespmem:v3+s31+$0x0], $0xffff  }
0x6b: {  	v4 =	vld.idx.msk [tilespmem:v4+s31+$0x0], $0xffff;
	_ =	sdelay $0x4  }
0x6c: {  	v3 =	vadd.f32 v4, v3;
	_ =	sdelay $0x1  }
0x6d: {  	v4 =	vmul.f32 $2.000000030e-01, v3  }
0x6e: {  	vm12 =	vgt.f32 v3, $0.0e+00  }
0x6f: {  	v3 =	vsel vm12, v3, v4  }
0x70: {  	v3 =	vsub.f32 v3, v2;
	_ =	sdelay $0x1  }
0x71: {  	v3 =	vmul.f32 $1.442695020e+00, v3;
	_ =	sdelay $0x1  }
0x72: {  	v4 =	vld [tilespmem:$0x7B90];
	(erf) = vpow2.f32 v3  }
0x73: {  	v3 =	vld [tilespmem:$0x7B40];
	_ =	sdelay $0x4  }
0x74: {  	v4 =	vshll.u32 v4, $0x1;
	v3 =	vshll.u32 v3, $0x1  }
0x75: {  	v4 =	vor.u32 $0x1, v4;
	_ =	sdelay $0x1  }
0x76: {  	v5 =	vpop (erf)  }
0x77: {  	[tilespmem:$0x7BD0] =	vst v5  }
0x78: {  	v3 =	vld.idx.msk [tilespmem:v3+s31+$0x0], $0xffff  }
0x79: {  	v4 =	vld.idx.msk [tilespmem:v4+s31+$0x0], $0xffff;
	_ =	sdelay $0x4  }
0x7a: {  	v3 =	vadd.f32 v4, v3;
	_ =	sdelay $0x1  }
0x7b: {  	v4 =	vmul.f32 $2.000000030e-01, v3  }
0x7c: {  	vm13 =	vgt.f32 v3, $0.0e+00  }
0x7d: {  	v3 =	vsel vm13, v3, v4  }
0x7e: {  	v3 =	vsub.f32 v3, v2;
	_ =	sdelay $0x1  }
0x7f: {  	v3 =	vmul.f32 $1.442695020e+00, v3;
	_ =	sdelay $0x1  }
0x80: {  	v4 =	vld [tilespmem:$0x7BA0];
	(erf) = vpow2.f32 v3  }
0x81: {  	v3 =	vld [tilespmem:$0x7B50];
	_ =	sdelay $0x4  }
0x82: {  	v4 =	vshll.u32 v4, $0x1;
	v3 =	vshll.u32 v3, $0x1  }
0x83: {  	v4 =	vor.u32 $0x1, v4;
	_ =	sdelay $0x1  }
0x84: {  	v5 =	vpop (erf)  }
0x85: {  	[tilespmem:$0x7BE0] =	vst v5  }
0x86: {  	v3 =	vld.idx.msk [tilespmem:v3+s31+$0x0], $0xffff  }
0x87: {  	v4 =	vld.idx.msk [tilespmem:v4+s31+$0x0], $0xffff;
	_ =	sdelay $0x4  }
0x88: {  	v3 =	vadd.f32 v4, v3;
	_ =	sdelay $0x1  }
0x89: {  	v4 =	vmul.f32 $2.000000030e-01, v3  }
0x8a: {  	vm14 =	vgt.f32 v3, $0.0e+00  }
0x8b: {  	v3 =	vsel vm14, v3, v4  }
0x8c: {  	v3 =	vsub.f32 v3, v2;
	_ =	sdelay $0x1  }
0x8d: {  	v3 =	vmul.f32 $1.442695020e+00, v3;
	_ =	sdelay $0x1  }
0x8e: {  	v4 =	vld [tilespmem:$0x7BB0];
	(erf) = vpow2.f32 v3  }
0x8f: {  	v3 =	vld [tilespmem:$0x7B60];
	_ =	sdelay $0x4  }
0x90: {  	v4 =	vshll.u32 v4, $0x1;
	v3 =	vshll.u32 v3, $0x1  }
0x91: {  	v4 =	vor.u32 $0x1, v4;
	_ =	sdelay $0x1  }
0x92: {  	v5 =	vpop (erf)  }
0x93: {  	[tilespmem:$0x7BF0] =	vst v5  }
0x94: {  	v3 =	vld.idx.msk [tilespmem:v3+s31+$0x0], $0xffff  }
0x95: {  	v4 =	vld.idx.msk [tilespmem:v4+s31+$0x0], $0xffff;
	_ =	sdelay $0x4  }
0x96: {  	v3 =	vadd.f32 v4, v3;
	_ =	sdelay $0x1  }
0x97: {  	v4 =	vmul.f32 $2.000000030e-01, v3  }
0x98: {  	vm15 =	vgt.f32 v3, $0.0e+00  }
0x99: {  	v3 =	vsel vm15, v3, v4  }
0x9a: {  	v3 =	vsub.f32 v3, v2;
	_ =	sdelay $0x1  }
0x9b: {  	v3 =	vmul.f32 $1.442695020e+00, v3;
	_ =	sdelay $0x1  }
0x9c: {  	(erf) = vpow2.f32 v3;
	_ =	sdelay $0x5  }
0x9d: {  	v3 =	vmov s31;
	_ =	sdelay $0x2  }
0x9e: {  	v4 =	vpop (erf)  }
0x9f: {  	[tilespmem:$0x7C00] =	vst v4  }
0xa0: {  	s2 =	simm.s32 $0x4E40;
	v3 =	vld.idx.msk [tilespmem:v3+s29+$0x0], $0xffff  }
0xa1: {  	v4 =	vld [tilespmem:s2+$0xFFFFFFE0];
	_ =	sdelay $0x4  }
0xa2: {  	v4 =	vmul.f32 v4, v3  }
0xa3: {  	s21 =	simm.s32 $0x6240  }
0xa4: {  	[tilespmem:s21+$0xFFFFFFE0] =	vst v4  }
0xa5: {  	v4 =	vld [tilespmem:s2+$0xFFFFFFF0];
	_ =	sdelay $0x4  }
0xa6: {  	v4 =	vmul.f32 v4, v3;
	_ =	sdelay $0x1  }
0xa7: {  	[tilespmem:s21+$0xFFFFFFF0] =	vst v4  }
0xa8: {  	v4 =	vld [tilespmem:s2+$0x0];
	_ =	sdelay $0x4  }
0xa9: {  	v4 =	vmul.f32 v4, v3;
	_ =	sdelay $0x1  }
0xaa: {  	[tilespmem:s21+$0x0] =	vst v4  }
0xab: {  	v4 =	vld [tilespmem:s2+$0x10]  }
0xac: {  	v5 =	vmul.f32 v1, v3  }
0xad: {  	s1 =	simm.s32 $0x1  }
0xae: {  	[tilespmem:s21+$0x20] =	vst v5;
	v5 =	vmov s1;
	s1 =	simm.s32 $0x2  }
.LBB2_5:
0xaf: {  	p0 =	sne.s32 s1, $0x4F  }
0xb0: {  	v3 =	vmul.f32 v4, v3;
	_ =	sdelay $0x1  }
0xb1: {  	[tilespmem:s21+$0x10] =	vst v3  }
0xb2: {  	s2 =	sadd.s32 $0x40, s2;
	v3 =	vld.idx.msk [tilespmem:v5+s29+$0x0], $0xffff  }
0xb3: {  	v4 =	vld [tilespmem:s2+$0xFFFFFFE0];
	_ =	sdelay $0x4  }
0xb4: {  	v5 =	vmul.f32 v1, v3;
	v4 =	vmul.f32 v4, v3  }
0xb5: {  	s21 =	sadd.s32 $0x50, s21  }
0xb6: {  	[tilespmem:s21+$0xFFFFFFE0] =	vst v4  }
0xb7: {  	v4 =	vld [tilespmem:s2+$0xFFFFFFF0];
	_ =	sdelay $0x4  }
0xb8: {  	v4 =	vmul.f32 v4, v3;
	_ =	sdelay $0x1  }
0xb9: {  	[tilespmem:s21+$0xFFFFFFF0] =	vst v4  }
0xba: {  	v4 =	vld [tilespmem:s2+$0x0];
	_ =	sdelay $0x4  }
0xbb: {  	v4 =	vmul.f32 v4, v3;
	_ =	sdelay $0x1  }
.Ltmp1:
0xbc: {  	[tilespmem:s21+$0x0] =	vst v4;
	(pc) =	sbr.rel @p0 .LBB2_5-.Ltmp1, $2  }
0xbd: {  	v4 =	vld [tilespmem:s2+$0x10];
	[tilespmem:s21+$0x20] =	vst v5;
	_ =	sdelay $0x2  }
0xbe: {  	v5 =	vmov s1;
	s1 =	sadd.s32 $0x1, s1  }
0xbf: {  	_ = 	snop  }
0xc0: {  	v3 =	vmul.f32 v4, v3;
	_ =	sdelay $0x1  }
0xc1: {  	[tilespmem:s21+$0x10] =	vst v3  }
0xc2: {  	s1 =	sadd.s32 $0x40, s2;
	v3 =	vld.idx.msk [tilespmem:v5+s29+$0x0], $0xffff  }
0xc3: {  	v63 =	vld [tilespmem:s1+$0xFFFFFFE0];
	_ =	sdelay $0x4  }
0xc4: {  	v4 =	vmul.f32 v63, v3  }
0xc5: {  	s21 =	sadd.s32 $0x50, s21  }
0xc6: {  	[tilespmem:s21+$0xFFFFFFE0] =	vst v4  }
0xc7: {  	v4 =	vld [tilespmem:s1+$0xFFFFFFF0];
	_ =	sdelay $0x4  }
0xc8: {  	v4 =	vmul.f32 v4, v3;
	_ =	sdelay $0x1  }
0xc9: {  	[tilespmem:s21+$0xFFFFFFF0] =	vst v4  }
0xca: {  	v4 =	vld [tilespmem:s1+$0x0];
	_ =	sdelay $0x4  }
0xcb: {  	v4 =	vmul.f32 v4, v3;
	_ =	sdelay $0x1  }
0xcc: {  	[tilespmem:s21+$0x0] =	vst v4  }
0xcd: {  	v4 =	vld [tilespmem:s1+$0x10];
	_ =	sdelay $0x3  }
0xce: {  	v5 =	vmul.f32 v1, v3  }
0xcf: {  	s0 =	sadd.s32 $0x1, s0;
	v3 =	vmul.f32 v4, v3  }
0xd0: {  	p0 =	sne.s32 s0, $0x7D;
	[tilespmem:s21+$0x20] =	vst v5  }
.Ltmp2:
0xd1: {  	[tilespmem:s21+$0x10] =	vst v3;
	(pc) =	sbr.rel @p0 .LBB2_4-.Ltmp2, $4  }
0xd2: {  	[spmem:s3] =	stream.indirect.scatter.add.f32 [tilespmem:s22], [sflag:$0x2], $0x50, s24, s25, $0xb8;
	[tilespmem:$0x14430] =	vst v63  }
0xd3: {  	_ =	swait.ge [sflag:s20], $0x1900  }
0xd4: {  	[sflag:s20] =	ssyncset.done $0x0  }
0xd5: {  	[sflag:s20] =	ssyncadd.s32 $0xFFFFE700  }
0xd6: {  	s0 =	stileid.u32;
	s30 =	sadd.s32 $0x1, s30  }
0xd7: {  	[bflag:$0x0] =	sbarrier.arrive $0xFFFF;
	s0 =	sshll.u32 s0, $0x6;
	p0 =	sne.s32 s30, s19  }
.Ltmp3:
0xd8: {  	s1 =	sshrl.u32 s9, $0x3;
	s0 =	sor.u32 $0x1C02, s0;
	(pc) =	sbr.rel @p0 .LBB2_1-.Ltmp3, $4  }
0xd9: {  	[hbm:s18], [sflag:s0] =	dma.local [spmem:s1], $0x1900  }
0xda: {  	_ =	swait.ge [sflag:s20], $0x1900  }
0xdb: {  	[sflag:s20] =	ssyncset.done $0x0  }
0xdc: {  	[sflag:s20] =	ssyncadd.s32 $0xFFFFE700  }
0xdd: {  	_ =	sfence.sel $0x180000  }
0xde: {  	[bflag:$0x0] =	sbarrier.arrive $0xFFFF  }
0xdf: {  	_ =	strace $0x90000047  }
0xe0: {  	s0 =	stileid.u32;
	[bflag:$0x2] =	sbarrier.arrive $0xFFFF  }
0xe1: {  	p0 =	sne.s32 s0, $0x0;
	s0 =	rddreg [dreg:$0x3]  }
0xe2: {  	s0 =	sadd.s32 @!p0 $0x100000, s0  }
0xe3: {  	[sflag:s0] =	ssyncadd.tile.s32 @!p0 $0x1;
	_ =	shalt  }
.Lfunc_end2:
_tile_overlayer_lowered:
.L_overlay_start_2:
0xe4: {  	(tag) =	ssettag $0x2  }
0xe5: {  	s0 =	rddreg [dreg:$0x0];
	s2 =	stileid.u32  }
0xe6: {  	s1 =	rddreg [dreg:$0x1];
	p0 =	sne.s32 s2, $0x0  }
0xe7: {  	s3 =	rddreg [dreg:$0x2];
	[bflag:$0x3] =	sbarrier.arrive $0xFFFF;
	s2 =	simm.s32 @!p0 $0x1C02  }
0xe8: {  	[timem:s3], [sflag:s2] =	dma.local @!p0 [hbm:s0], s1  }
0xe9: {  	s0 =	simm.s32 @!p0 $0x2  }
0xea: {  	_ =	swait.ge @!p0 [sflag:s0], s1  }
0xeb: {  	s1 =	ssub.s32 @!p0 $0x0, s1;
	[sflag:s0] =	ssyncset.done @!p0 $0x0  }
0xec: {  	[sflag:s0] =	ssyncadd.s32 @!p0 s1  }
0xed: {  	[bflag:$0x3] =	sbarrier.arrive $0xFFFF  }
0xee: {  	_ =	shalt  }

</sc_bundles>
